<compile_context>
chip_gen: v7x
topology: tpu7x:2x2x1
jax: 0.10.2.dev20260603
libtpu: 0.0.44.dev20260713+nightly
codegen_flags: <defaults>
</compile_context>

<pallas_src>
import functools

import jax
import jax.numpy as jnp
from jax import lax
from jax.experimental import pallas as pl
from jax.experimental.pallas import tpu as pltpu
from jax.experimental.pallas import tpu_sc as plsc

_G = 64

_K = 128
_NW = 32
_NPH = 2
_PW = 40


def _pad_nodes(N):
    ZB = -(-N // (16 * 128)) * 128
    return 16 * ZB, ZB



@functools.lru_cache(maxsize=None)
def _make_edge_kernel(NP, D, with_cnt):
    K, PW, NPH = _K, _PW, _NPH
    ZB = NP // 16
    mesh = plsc.VectorSubcoreMesh(core_axis_name="c", subcore_axis_name="s")

    out_type = [jax.ShapeDtypeStruct((2, NP, D), jnp.float32)]
    scratch = [
        pltpu.VMEM((PW, K), jnp.int32),
        pltpu.VMEM((PW, K), jnp.int32),
        pltpu.VMEM((2, K, D), jnp.float32),
        pltpu.VMEM_SHARED((NP, D), jnp.float32),
        pltpu.SemaphoreType.DMA,
        pltpu.SemaphoreType.DMA,
        pltpu.SemaphoreType.DMA,
        pltpu.SemaphoreType.DMA,
    ]
    if with_cnt:
        out_type.append(jax.ShapeDtypeStruct((2, 1, NP), jnp.float32))
        scratch += [
            pltpu.VMEM((K,), jnp.float32),
            pltpu.VMEM_SHARED((NP,), jnp.float32),
            pltpu.SemaphoreType.DMA,
        ]

    @functools.partial(pl.kernel, mesh=mesh, out_type=tuple(out_type),
                       scratch_types=scratch)
    def edge_kernel(m_hbm, src_hbm, dst_hbm, zrow_hbm, zcnt_hbm, *rest):
        if with_cnt:
            (agg_out, cnt_out, src_blk, dst_blk, rows, agg_sh,
             g0, g1, s0, s1, ones_v, cnt_sh, csem) = rest
        else:
            (agg_out, src_blk, dst_blk, rows, agg_sh,
             g0, g1, s0, s1) = rest
        gsem = (g0, g1)
        ssem = (s0, s1)
        cid = lax.axis_index("c")
        sid = lax.axis_index("s")
        wid = sid * 2 + cid

        zbase = pl.multiple_of(sid * ZB, 128)
        zcp = pltpu.async_copy(zrow_hbm.at[pl.ds(zbase, ZB)],
                               agg_sh.at[pl.ds(zbase, ZB)], ssem[0])
        if with_cnt:
            pltpu.sync_copy(zcnt_hbm.at[pl.ds(zbase, ZB)],
                            cnt_sh.at[pl.ds(zbase, ZB)])

            def fill_ones(i, _):
                ones_v[pl.ds(i * 16, 16)] = jnp.ones((16,), jnp.float32)
                return 0

            lax.fori_loop(0, K // 16, fill_ones, 0)
        zcp.wait()
        plsc.subcore_barrier()

        def gather(j, b):
            pltpu.async_copy(m_hbm.at[src_blk.at[j]], rows.at[b], gsem[b])

        def wait_gather(j, b):
            pltpu.make_async_copy(m_hbm.at[src_blk.at[j]],
                                  rows.at[b], gsem[b]).wait()

        def scatter(j, b):
            if with_cnt:
                pltpu.async_copy(ones_v, cnt_sh.at[dst_blk.at[j]],
                                 csem, add=True)
            pltpu.async_copy(rows.at[b], agg_sh.at[dst_blk.at[j]],
                             ssem[b], add=True)

        def wait_scatter(j, b):
            pltpu.make_async_copy(rows.at[b], agg_sh.at[dst_blk.at[j]],
                                  ssem[b]).wait()

        def phase(ph, _):
            ld_src = pltpu.async_copy(src_hbm.at[wid, ph], src_blk, gsem[0])
            ld_dst = pltpu.async_copy(dst_hbm.at[wid, ph], dst_blk, gsem[1])
            ld_src.wait()
            ld_dst.wait()
            gather(0, 0)

            def pair(p, _):
                w = 2 * p
                @pl.when(p > 0)
                def _():
                    wait_scatter(w - 1, 1)
                gather(w + 1, 1)
                wait_gather(w, 0)
                scatter(w, 0)

                w1 = w + 1
                @pl.when(p < PW // 2 - 1)
                def _():
                    wait_scatter(w1 - 1, 0)
                    gather(w1 + 1, 0)
                wait_gather(w1, 1)
                scatter(w1, 1)
                return 0

            lax.fori_loop(0, PW // 2, pair, 0)
            wait_scatter(PW - 2, 0)
            wait_scatter(PW - 1, 1)
            return 0

        lax.fori_loop(0, NPH, phase, 0)

        if with_cnt:
            def drain_cnt(i, _):
                pltpu.make_async_copy(ones_v, cnt_sh.at[dst_blk.at[0]],
                                      csem).wait()
                return 0
            lax.fori_loop(0, NPH * PW, drain_cnt, 0)
        plsc.subcore_barrier()

        ob = pl.multiple_of(sid * ZB, 128)
        pltpu.sync_copy(agg_sh.at[pl.ds(ob, ZB)],
                        agg_out.at[cid, pl.ds(ob, ZB)])
        if with_cnt:
            pltpu.sync_copy(cnt_sh.at[pl.ds(ob, ZB)],
                            cnt_out.at[cid, 0, pl.ds(ob, ZB)])

    return edge_kernel



_PREC = lax.Precision.DEFAULT


def _mm_body(h_ref, w_ref, o_ref):
    o_ref[...] = jnp.dot(h_ref[...], w_ref[...],
                         preferred_element_type=jnp.float32, precision=_PREC)


@functools.lru_cache(maxsize=None)
def _make_mm(N, NP, D, BR):
    return pl.pallas_call(
        _mm_body,
        grid=(N // BR,),
        in_specs=[
            pl.BlockSpec((BR, D), lambda i: (i, 0)),
            pl.BlockSpec((D, D), lambda i: (0, 0)),
        ],
        out_specs=pl.BlockSpec((BR, D), lambda i: (i, 0)),
        out_shape=jax.ShapeDtypeStruct((NP, D), jnp.float32),
    )


def _gru_block(p0_ref, p1_ref, c0_ref, c1_ref, h_ref, wih_ref, whh_ref,
               bih_ref, bhh_ref):
    D = h_ref.shape[1]
    cnt = jnp.maximum(c0_ref[...] + c1_ref[...], 1.0)
    agg = (p0_ref[0] + p1_ref[0]) / cnt
    h = h_ref[...]
    gi = jnp.dot(agg, wih_ref[...], preferred_element_type=jnp.float32,
                 precision=_PREC) + bih_ref[...]
    gh = jnp.dot(h, whh_ref[...], preferred_element_type=jnp.float32,
                 precision=_PREC) + bhh_ref[...]
    i_r, i_z, i_n = gi[:, :D], gi[:, D:2 * D], gi[:, 2 * D:]
    h_r, h_z, h_n = gh[:, :D], gh[:, D:2 * D], gh[:, 2 * D:]
    r = jax.nn.sigmoid(i_r + h_r)
    z = jax.nn.sigmoid(i_z + h_z)
    n = jnp.tanh(i_n + r * h_n)
    return (1.0 - z) * n + z * h


def _gru_mm_body(p0_ref, p1_ref, c0_ref, c1_ref, h_ref, wih_ref, whh_ref,
                 bih_ref, bhh_ref, wnext_ref, h_out, m_out):
    hn = _gru_block(p0_ref, p1_ref, c0_ref, c1_ref, h_ref, wih_ref, whh_ref,
                    bih_ref, bhh_ref)
    h_out[...] = hn
    m_out[...] = jnp.dot(hn, wnext_ref[...], preferred_element_type=jnp.float32,
                         precision=_PREC)


@functools.lru_cache(maxsize=None)
def _make_gru_mm(N, NP, D, BR):
    return pl.pallas_call(
        _gru_mm_body,
        grid=(N // BR,),
        in_specs=[
            pl.BlockSpec((1, BR, D), lambda i: (0, i, 0)),
            pl.BlockSpec((1, BR, D), lambda i: (1, i, 0)),
            pl.BlockSpec((BR, 1), lambda i: (i, 0)),
            pl.BlockSpec((BR, 1), lambda i: (i, 0)),
            pl.BlockSpec((BR, D), lambda i: (i, 0)),
            pl.BlockSpec((D, 3 * D), lambda i: (0, 0)),
            pl.BlockSpec((D, 3 * D), lambda i: (0, 0)),
            pl.BlockSpec((1, 3 * D), lambda i: (0, 0)),
            pl.BlockSpec((1, 3 * D), lambda i: (0, 0)),
            pl.BlockSpec((D, D), lambda i: (0, 0)),
        ],
        out_specs=[
            pl.BlockSpec((BR, D), lambda i: (i, 0)),
            pl.BlockSpec((BR, D), lambda i: (i, 0)),
        ],
        out_shape=[
            jax.ShapeDtypeStruct((N, D), jnp.float32),
            jax.ShapeDtypeStruct((NP, D), jnp.float32),
        ],
    )


def _gru_pool_body(C, p0_ref, p1_ref, c0_ref, c1_ref, h_ref, wih_ref, whh_ref,
                   bih_ref, bhh_ref, b_ref, fcw_ref, fcb_ref, o_ref,
                   pool_acc, gcnt_acc):
    i = pl.program_id(0)
    nsteps = pl.num_programs(0)
    G = pool_acc.shape[0]
    BR = h_ref.shape[0]

    @pl.when(i == 0)
    def _():
        pool_acc[...] = jnp.zeros_like(pool_acc)
        gcnt_acc[...] = jnp.zeros_like(gcnt_acc)

    hn = _gru_block(p0_ref, p1_ref, c0_ref, c1_ref, h_ref, wih_ref, whh_ref,
                    bih_ref, bhh_ref)
    hb = jnp.maximum(hn, 0.0)
    bids = jnp.broadcast_to(b_ref[0], (G, BR))
    gids = lax.broadcasted_iota(jnp.int32, (G, BR), 0)
    mask = jnp.where(bids == gids, 1.0, 0.0)
    pool_acc[...] += jnp.dot(mask, hb, preferred_element_type=jnp.float32,
                             precision=_PREC)
    gcnt_acc[...] += jnp.sum(mask, axis=1, keepdims=True)

    @pl.when(i == nsteps - 1)
    def _():
        C_pad = fcw_ref.shape[1]
        pooled = pool_acc[...] / jnp.maximum(gcnt_acc[...], 1.0)
        logits = jnp.dot(pooled, fcw_ref[...],
                         preferred_element_type=jnp.float32,
                         precision=_PREC) + fcb_ref[...]
        lane = lax.broadcasted_iota(jnp.int32, (G, C_pad), 1)
        valid = lane < C
        xm = jnp.where(valid, logits, -1e30)
        mx = jnp.max(xm, axis=1, keepdims=True)
        ex = jnp.where(valid, jnp.exp(xm - mx), 0.0)
        lse = jnp.log(jnp.sum(ex, axis=1, keepdims=True))
        o_ref[...] = logits - mx - lse


@functools.lru_cache(maxsize=None)
def _make_gru_pool(N, D, BR, C_pad, C):
    return pl.pallas_call(
        functools.partial(_gru_pool_body, C),
        grid=(N // BR,),
        in_specs=[
            pl.BlockSpec((1, BR, D), lambda i: (0, i, 0)),
            pl.BlockSpec((1, BR, D), lambda i: (1, i, 0)),
            pl.BlockSpec((BR, 1), lambda i: (i, 0)),
            pl.BlockSpec((BR, 1), lambda i: (i, 0)),
            pl.BlockSpec((BR, D), lambda i: (i, 0)),
            pl.BlockSpec((D, 3 * D), lambda i: (0, 0)),
            pl.BlockSpec((D, 3 * D), lambda i: (0, 0)),
            pl.BlockSpec((1, 3 * D), lambda i: (0, 0)),
            pl.BlockSpec((1, 3 * D), lambda i: (0, 0)),
            pl.BlockSpec((1, 1, BR), lambda i: (i, 0, 0)),
            pl.BlockSpec((D, C_pad), lambda i: (0, 0)),
            pl.BlockSpec((1, C_pad), lambda i: (0, 0)),
        ],
        out_specs=pl.BlockSpec((_G, C_pad), lambda i: (0, 0)),
        out_shape=jax.ShapeDtypeStruct((_G, C_pad), jnp.float32),
        scratch_shapes=[
            pltpu.VMEM((_G, D), jnp.float32),
            pltpu.VMEM((_G, 1), jnp.float32),
        ],
    )



def kernel(x, edge_index, batch, weight, w_ih, w_hh, b_ih, b_hh, fc_w, fc_b):
    N, D = x.shape
    E = edge_index.shape[1]
    L = weight.shape[0]
    C = fc_w.shape[0]
    NP, _ = _pad_nodes(N)
    BR = 2000
    C_pad = 128

    EP = _NW * _NPH * _PW * _K
    pad_n = EP - E
    pad_i = jnp.arange(pad_n, dtype=jnp.int32)
    src4 = jnp.concatenate(
        [edge_index[0].astype(jnp.int32), pad_i % N]
    ).reshape(_NW, _NPH, _PW, _K)
    dst4 = jnp.concatenate(
        [edge_index[1].astype(jnp.int32), N + pad_i % (NP - N)]
    ).reshape(_NW, _NPH, _PW, _K)
    zrow = jnp.zeros((NP, D), jnp.float32)
    zcnt = jnp.zeros((NP,), jnp.float32)

    wih_t = w_ih.T
    whh_t = w_hh.T
    bih2 = b_ih.reshape(1, 3 * D)
    bhh2 = b_hh.reshape(1, 3 * D)
    fcw_pad = jnp.zeros((D, C_pad), jnp.float32).at[:, :C].set(fc_w.T)
    fcb_pad = jnp.zeros((1, C_pad), jnp.float32).at[0, :C].set(fc_b)
    batch3d = batch.astype(jnp.int32).reshape(N // BR, 1, BR)

    edge0 = _make_edge_kernel(NP, D, True)
    edge1 = _make_edge_kernel(NP, D, False)

    assert L == 2
    m0 = _make_mm(N, NP, D, BR)(x, weight[0])
    p, cntp = edge0(m0, src4, dst4, zrow, zcnt)
    cnt0 = cntp[0, 0].reshape(NP, 1)
    cnt1 = cntp[1, 0].reshape(NP, 1)
    h1, m1 = _make_gru_mm(N, NP, D, BR)(
        p, p, cnt0, cnt1, x, wih_t, whh_t, bih2, bhh2, weight[1])
    (p,) = edge1(m1, src4, dst4, zrow, zcnt)
    out_pad = _make_gru_pool(N, D, BR, C_pad, C)(
        p, p, cnt0, cnt1, h1, wih_t, whh_t, bih2, bhh2,
        batch3d, fcw_pad, fcb_pad)
    return out_pad[:, :C]

# --- scband reference (transcript-rebuilt; emitter-appended) ---
"""Pipeline reference for scband-ggnn2-77764677862202 (READ-ONLY COPY).

The authoritative reference and input builder live on the scoring server;
editing this copy changes nothing except your own understanding.
"""

import jax, jax.numpy as jnp
import numpy as np

N = 10000
E = 320000
D = 128
L = 2
C = 6
G = 64


def setup_inputs(seed: int = 0) -> dict:
    key = jax.random.key(seed)
    ks = jax.random.split(key, 9)
    x = jax.random.normal(ks[0], (N, D), dtype=jnp.float32)
    edge_index = jax.random.randint(ks[1], (2, E), 0, N)
    batch = jnp.sort(jax.random.randint(ks[2], (N,), 0, G))
    weight = jax.random.normal(ks[3], (L, D, D), dtype=jnp.float32) * 0.05
    w_ih = jax.random.normal(ks[4], (3 * D, D), dtype=jnp.float32) * 0.05
    w_hh = jax.random.normal(ks[5], (3 * D, D), dtype=jnp.float32) * 0.05
    b_ih = jnp.zeros((3 * D,), dtype=jnp.float32)
    b_hh = jnp.zeros((3 * D,), dtype=jnp.float32)
    fc_w = jax.random.normal(ks[6], (C, D), dtype=jnp.float32) * 0.05
    fc_b = jnp.zeros((C,), dtype=jnp.float32)
    return {"x": x, "edge_index": edge_index, "batch": batch, "weight": weight,
            "w_ih": w_ih, "w_hh": w_hh, "b_ih": b_ih, "b_hh": b_hh,
            "fc_w": fc_w, "fc_b": fc_b}


def _gru_cell(m, h, w_ih, w_hh, b_ih, b_hh):
    gi = m @ w_ih.T + b_ih
    gh = h @ w_hh.T + b_hh
    i_r, i_z, i_n = jnp.split(gi, 3, axis=1)
    h_r, h_z, h_n = jnp.split(gh, 3, axis=1)
    r = jax.nn.sigmoid(i_r + h_r)
    z = jax.nn.sigmoid(i_z + h_z)
    n = jnp.tanh(i_n + r * h_n)
    return (1.0 - z) * n + z * h


def reference(x, edge_index, batch, weight, w_ih, w_hh, b_ih, b_hh, fc_w, fc_b):
    src = edge_index[0]
    dst = edge_index[1]
    h = x  # in_channels == out_channels, no zero-padding needed
    for i in range(L):
        m = h @ weight[i]
        msg = jnp.take(m, src, axis=0)               # gather x_j (SparseCore gather)
        agg = jax.ops.segment_sum(msg, dst, num_segments=N)  # scatter-add
        cnt = jax.ops.segment_sum(jnp.ones((E,), dtype=m.dtype), dst, num_segments=N)
        agg = agg / jnp.clip(cnt, 1.0)[:, None]      # aggr='mean'
        h = _gru_cell(agg, h, w_ih, w_hh, b_ih, b_hh)
    h = jax.nn.relu(h)
    # dropout is identity in eval mode
    pooled = jax.ops.segment_sum(h, batch, num_segments=G)  # global_mean_pool
    gcnt = jax.ops.segment_sum(jnp.ones((N,), dtype=h.dtype), batch, num_segments=G)
    pooled = pooled / jnp.clip(gcnt, 1.0)[:, None]
    logits = pooled @ fc_w.T + fc_b
    return jax.nn.log_softmax(logits, axis=1)

if __name__ == "__main__":
    import jax
    _d = setup_inputs()
    print(jax.jit(kernel)(*tuple(_d.values())))

</pallas_src>

<mosaic_0001>
#map = affine_map<(d0, d1) -> (0, 0)>
#map1 = affine_map<(d0, d1) -> (0, 0, 0, 0)>
#map2 = affine_map<(d0, d1) -> (0)>
#map3 = affine_map<(d0, d1) -> (0, 0, 0)>
module attributes {stable_mosaic.version = 14 : i64} {
  func.func @edge_kernel(%arg0: i32, %arg1: i32, %arg2: memref<10240x128xf32, #tpu.memory_space<hbm>>, %arg3: memref<32x2x40x128xi32, #tpu.memory_space<hbm>>, %arg4: memref<32x2x40x128xi32, #tpu.memory_space<hbm>>, %arg5: memref<10240x128xf32, #tpu.memory_space<hbm>>, %arg6: memref<10240xf32, #tpu.memory_space<hbm>>, %arg7: memref<2x10240x128xf32, #tpu.memory_space<hbm>>, %arg8: memref<40x128xi32, #tpu.memory_space<vmem>>, %arg9: memref<40x128xi32, #tpu.memory_space<vmem>>, %arg10: memref<2x128x128xf32, #tpu.memory_space<vmem>>, %arg11: memref<10240x128xf32, #tpu.memory_space<vmem_shared>>, %arg12: memref<!tpu.dma_semaphore, #tpu.memory_space<semaphore_mem>>, %arg13: memref<!tpu.dma_semaphore, #tpu.memory_space<semaphore_mem>>, %arg14: memref<!tpu.dma_semaphore, #tpu.memory_space<semaphore_mem>>, %arg15: memref<!tpu.dma_semaphore, #tpu.memory_space<semaphore_mem>>) attributes {dimension_semantics = [#tpu.dimension_semantics<core_parallel>, #tpu.dimension_semantics<subcore_parallel>], iteration_bounds = array<i64: 2, 16>, scalar_prefetch = 0 : i64, scratch_operands = 8 : i64, tpu.core_type = #tpu.core_type<sc_vector_subcore>, window_params = [{transform_indices = #map}, {transform_indices = #map1}, {transform_indices = #map1}, {transform_indices = #map}, {transform_indices = #map2}, {transform_indices = #map3}]} {
    %mul3A = arith.constant 2 : i32
    %mul3A_0 = arith.muli %arg1, %mul3A : i32
    %add3A = arith.addi %mul3A_0, %arg0 : i32
    %mul3A_1 = arith.constant 640 : i32
    %mul3A_2 = arith.muli %arg1, %mul3A_1 : i32
    %multiple_of3A = tpu.assume_multiple %mul3A_2, 128 : i32
    %dma_start3A = arith.constant 0 : i32
    %dma_start3A_3 = tpu.memref_slice %arg11[%multiple_of3A, %dma_start3A] : memref<10240x128xf32, #tpu.memory_space<vmem_shared>> -> memref<640x128xf32, #tpu.memory_space<vmem_shared>>
    %dma_start3A_4 = arith.constant 0 : i32
    %dma_start3A_5 = tpu.memref_slice %arg5[%multiple_of3A, %dma_start3A_4] : memref<10240x128xf32, #tpu.memory_space<hbm>> -> memref<640x128xf32, #tpu.memory_space<hbm>>
    tpu.enqueue_dma source(%dma_start3A_5 : memref<640x128xf32, #tpu.memory_space<hbm>>) target(%dma_start3A_3 : memref<640x128xf32, #tpu.memory_space<vmem_shared>>) target_semaphore(%arg14 : memref<!tpu.dma_semaphore, #tpu.memory_space<semaphore_mem>>)
    %dma_wait3A = arith.constant 0 : i32
    %dma_wait3A_6 = tpu.memref_slice %arg11[%multiple_of3A, %dma_wait3A] : memref<10240x128xf32, #tpu.memory_space<vmem_shared>> -> memref<640x128xf32, #tpu.memory_space<vmem_shared>>
    %dma_wait3A_7 = arith.constant 0 : i32
    %dma_wait3A_8 = tpu.memref_slice %arg5[%multiple_of3A, %dma_wait3A_7] : memref<10240x128xf32, #tpu.memory_space<hbm>> -> memref<640x128xf32, #tpu.memory_space<hbm>>
    tpu.wait_dma2 semaphore(%arg14 : memref<!tpu.dma_semaphore, #tpu.memory_space<semaphore_mem>>) src(%dma_wait3A_8 : memref<640x128xf32, #tpu.memory_space<hbm>>) dst(%dma_wait3A_6 : memref<640x128xf32, #tpu.memory_space<vmem_shared>>)
    %barrier3A = arith.constant 0 : index
    tpu.barrier barrier_id(%barrier3A)
    %scan3A = arith.constant 0 : i32
    %scan3A_9 = arith.constant 0 : i32
    %scan3A_10 = arith.constant 2 : i32
    %scan3A_11 = arith.addi %scan3A_9, %scan3A_10 : i32
    %scan3A_12 = arith.constant 1 : i32
    %scan3A_13 = scf.for %scan3A_19 = %scan3A_9 to %scan3A_11 step %scan3A_12 iter_args(%scan3A_20 = %scan3A) -> (i32)  : i32 {
      %dma_start3A_21 = arith.constant 0 : i32
      %dma_start3A_22 = arith.constant 0 : i32
      %dma_start3A_23 = tpu.memref_slice %arg3[%add3A, %scan3A_19, %dma_start3A_21, %dma_start3A_22] : memref<32x2x40x128xi32, #tpu.memory_space<hbm>> -> memref<1x1x40x128xi32, #tpu.memory_space<hbm>>
      %dma_start3A_24 = tpu.memref_squeeze %dma_start3A_23 : memref<1x1x40x128xi32, #tpu.memory_space<hbm>> -> memref<40x128xi32, #tpu.memory_space<hbm>>
      %dma_start3A_25 = arith.constant 0 : i32
      %dma_start3A_26 = arith.constant 0 : i32
      %dma_start3A_27 = tpu.memref_slice %arg3[%add3A, %scan3A_19, %dma_start3A_25, %dma_start3A_26] : memref<32x2x40x128xi32, #tpu.memory_space<hbm>> -> memref<1x1x40x128xi32, #tpu.memory_space<hbm>>
      %dma_start3A_28 = tpu.memref_squeeze %dma_start3A_27 : memref<1x1x40x128xi32, #tpu.memory_space<hbm>> -> memref<40x128xi32, #tpu.memory_space<hbm>>
      tpu.enqueue_dma source(%dma_start3A_28 : memref<40x128xi32, #tpu.memory_space<hbm>>) target(%arg8 : memref<40x128xi32, #tpu.memory_space<vmem>>) target_semaphore(%arg12 : memref<!tpu.dma_semaphore, #tpu.memory_space<semaphore_mem>>)
      %dma_start3A_29 = arith.constant 0 : i32
      %dma_start3A_30 = arith.constant 0 : i32
      %dma_start3A_31 = tpu.memref_slice %arg4[%add3A, %scan3A_19, %dma_start3A_29, %dma_start3A_30] : memref<32x2x40x128xi32, #tpu.memory_space<hbm>> -> memref<1x1x40x128xi32, #tpu.memory_space<hbm>>
      %dma_start3A_32 = tpu.memref_squeeze %dma_start3A_31 : memref<1x1x40x128xi32, #tpu.memory_space<hbm>> -> memref<40x128xi32, #tpu.memory_space<hbm>>
      %dma_start3A_33 = arith.constant 0 : i32
      %dma_start3A_34 = arith.constant 0 : i32
      %dma_start3A_35 = tpu.memref_slice %arg4[%add3A, %scan3A_19, %dma_start3A_33, %dma_start3A_34] : memref<32x2x40x128xi32, #tpu.memory_space<hbm>> -> memref<1x1x40x128xi32, #tpu.memory_space<hbm>>
      %dma_start3A_36 = tpu.memref_squeeze %dma_start3A_35 : memref<1x1x40x128xi32, #tpu.memory_space<hbm>> -> memref<40x128xi32, #tpu.memory_space<hbm>>
      tpu.enqueue_dma source(%dma_start3A_36 : memref<40x128xi32, #tpu.memory_space<hbm>>) target(%arg9 : memref<40x128xi32, #tpu.memory_space<vmem>>) target_semaphore(%arg13 : memref<!tpu.dma_semaphore, #tpu.memory_space<semaphore_mem>>)
      %dma_wait3A_37 = arith.constant 0 : i32
      %dma_wait3A_38 = arith.constant 0 : i32
      %dma_wait3A_39 = tpu.memref_slice %arg3[%add3A, %scan3A_19, %dma_wait3A_37, %dma_wait3A_38] : memref<32x2x40x128xi32, #tpu.memory_space<hbm>> -> memref<1x1x40x128xi32, #tpu.memory_space<hbm>>
      %dma_wait3A_40 = tpu.memref_squeeze %dma_wait3A_39 : memref<1x1x40x128xi32, #tpu.memory_space<hbm>> -> memref<40x128xi32, #tpu.memory_space<hbm>>
      %dma_wait3A_41 = arith.constant 0 : i32
      %dma_wait3A_42 = arith.constant 0 : i32
      %dma_wait3A_43 = tpu.memref_slice %arg3[%add3A, %scan3A_19, %dma_wait3A_41, %dma_wait3A_42] : memref<32x2x40x128xi32, #tpu.memory_space<hbm>> -> memref<1x1x40x128xi32, #tpu.memory_space<hbm>>
      %dma_wait3A_44 = tpu.memref_squeeze %dma_wait3A_43 : memref<1x1x40x128xi32, #tpu.memory_space<hbm>> -> memref<40x128xi32, #tpu.memory_space<hbm>>
      tpu.wait_dma2 semaphore(%arg12 : memref<!tpu.dma_semaphore, #tpu.memory_space<semaphore_mem>>) src(%dma_wait3A_44 : memref<40x128xi32, #tpu.memory_space<hbm>>) dst(%arg8 : memref<40x128xi32, #tpu.memory_space<vmem>>)
      %dma_wait3A_45 = arith.constant 0 : i32
      %dma_wait3A_46 = arith.constant 0 : i32
      %dma_wait3A_47 = tpu.memref_slice %arg4[%add3A, %scan3A_19, %dma_wait3A_45, %dma_wait3A_46] : memref<32x2x40x128xi32, #tpu.memory_space<hbm>> -> memref<1x1x40x128xi32, #tpu.memory_space<hbm>>
      %dma_wait3A_48 = tpu.memref_squeeze %dma_wait3A_47 : memref<1x1x40x128xi32, #tpu.memory_space<hbm>> -> memref<40x128xi32, #tpu.memory_space<hbm>>
      %dma_wait3A_49 = arith.constant 0 : i32
      %dma_wait3A_50 = arith.constant 0 : i32
      %dma_wait3A_51 = tpu.memref_slice %arg4[%add3A, %scan3A_19, %dma_wait3A_49, %dma_wait3A_50] : memref<32x2x40x128xi32, #tpu.memory_space<hbm>> -> memref<1x1x40x128xi32, #tpu.memory_space<hbm>>
      %dma_wait3A_52 = tpu.memref_squeeze %dma_wait3A_51 : memref<1x1x40x128xi32, #tpu.memory_space<hbm>> -> memref<40x128xi32, #tpu.memory_space<hbm>>
      tpu.wait_dma2 semaphore(%arg13 : memref<!tpu.dma_semaphore, #tpu.memory_space<semaphore_mem>>) src(%dma_wait3A_52 : memref<40x128xi32, #tpu.memory_space<hbm>>) dst(%arg9 : memref<40x128xi32, #tpu.memory_space<vmem>>)
      %dma_start3A_53 = arith.constant 0 : i32
      %dma_start3A_54 = arith.constant 0 : i32
      %dma_start3A_55 = arith.constant 0 : i32
      %dma_start3A_56 = arith.constant 0 : i32
      %dma_start3A_57 = tpu.memref_slice %arg10[%dma_start3A_54, %dma_start3A_55, %dma_start3A_56] : memref<2x128x128xf32, #tpu.memory_space<vmem>> -> memref<1x128x128xf32, #tpu.memory_space<vmem>>
      %dma_start3A_58 = tpu.memref_squeeze %dma_start3A_57 : memref<1x128x128xf32, #tpu.memory_space<vmem>> -> memref<128x128xf32, #tpu.memory_space<vmem>>
      %dma_start3A_59 = arith.constant 0 : i32
      %dma_start3A_60 = tpu.memref_slice %arg8[%dma_start3A_53, %dma_start3A_59] : memref<40x128xi32, #tpu.memory_space<vmem>> -> memref<1x128xi32, #tpu.memory_space<vmem>>
      %dma_start3A_61 = tpu.memref_squeeze %dma_start3A_60 : memref<1x128xi32, #tpu.memory_space<vmem>> -> memref<128xi32, #tpu.memory_space<vmem>>
      %dma_start3A_62 = arith.constant 0 : i32
      %dma_start3A_63 = arith.constant 0 : i32
      %dma_start3A_64 = tpu.memref_slice %arg2[%dma_start3A_62, %dma_start3A_63] : memref<10240x128xf32, #tpu.memory_space<hbm>> -> memref<10240x128xf32, #tpu.memory_space<hbm>>
      tpu.enqueue_indirect_dma source(%dma_start3A_64 : memref<10240x128xf32, #tpu.memory_space<hbm>>) target(%dma_start3A_58 : memref<128x128xf32, #tpu.memory_space<vmem>>) offsets(%dma_start3A_61 : memref<128xi32, #tpu.memory_space<vmem>>) semaphore(%arg12 : memref<!tpu.dma_semaphore, #tpu.memory_space<semaphore_mem>>)
      %scan3A_65 = arith.constant 0 : i32
      %scan3A_66 = arith.constant 0 : i32
      %scan3A_67 = arith.constant 20 : i32
      %scan3A_68 = arith.addi %scan3A_66, %scan3A_67 : i32
      %scan3A_69 = arith.constant 1 : i32
      %scan3A_70 = scf.for %scan3A_97 = %scan3A_66 to %scan3A_68 step %scan3A_69 iter_args(%scan3A_98 = %scan3A_65) -> (i32)  : i32 {
        %mul3A_99 = arith.constant 2 : i32
        %mul3A_100 = arith.muli %mul3A_99, %scan3A_97 : i32
        %gt3A = arith.constant 0 : i32
        %gt3A_101 = arith.cmpi sgt, %scan3A_97, %gt3A : i32
        %convert_element_type3A = arith.extui %gt3A_101 : i1 to i32
        %cond3A = arith.constant 0 : i32
        %cond3A_102 = arith.cmpi ne, %convert_element_type3A, %cond3A : i32
        scf.if %cond3A_102 {
          %sub3A = arith.constant 1 : i32
          %sub3A_167 = arith.subi %mul3A_100, %sub3A : i32
          %dma_wait3A_168 = arith.constant 1 : i32
          %dma_wait3A_169 = arith.constant 0 : i32
          %dma_wait3A_170 = arith.constant 0 : i32
          %dma_wait3A_171 = tpu.memref_slice %arg10[%dma_wait3A_168, %dma_wait3A_169, %dma_wait3A_170] : memref<2x128x128xf32, #tpu.memory_space<vmem>> -> memref<1x128x128xf32, #tpu.memory_space<vmem>>
          %dma_wait3A_172 = tpu.memref_squeeze %dma_wait3A_171 : memref<1x128x128xf32, #tpu.memory_space<vmem>> -> memref<128x128xf32, #tpu.memory_space<vmem>>
          %dma_wait3A_173 = arith.constant 0 : i32
          %dma_wait3A_174 = tpu.memref_slice %arg9[%sub3A_167, %dma_wait3A_173] : memref<40x128xi32, #tpu.memory_space<vmem>> -> memref<1x128xi32, #tpu.memory_space<vmem>>
          %dma_wait3A_175 = tpu.memref_squeeze %dma_wait3A_174 : memref<1x128xi32, #tpu.memory_space<vmem>> -> memref<128xi32, #tpu.memory_space<vmem>>
          %dma_wait3A_176 = arith.constant 0 : i32
          %dma_wait3A_177 = arith.constant 0 : i32
          %dma_wait3A_178 = tpu.memref_slice %arg11[%dma_wait3A_176, %dma_wait3A_177] : memref<10240x128xf32, #tpu.memory_space<vmem_shared>> -> memref<10240x128xf32, #tpu.memory_space<vmem_shared>>
          tpu.wait_indirect_dma semaphore(%arg15 : memref<!tpu.dma_semaphore, #tpu.memory_space<semaphore_mem>>) src(%dma_wait3A_172 : memref<128x128xf32, #tpu.memory_space<vmem>>) dst(%dma_wait3A_178 : memref<10240x128xf32, #tpu.memory_space<vmem_shared>>)
        } else {
        }
        %add3A_103 = arith.constant 1 : i32
        %add3A_104 = arith.addi %mul3A_100, %add3A_103 : i32
        %dma_start3A_105 = arith.constant 1 : i32
        %dma_start3A_106 = arith.constant 0 : i32
        %dma_start3A_107 = arith.constant 0 : i32
        %dma_start3A_108 = tpu.memref_slice %arg10[%dma_start3A_105, %dma_start3A_106, %dma_start3A_107] : memref<2x128x128xf32, #tpu.memory_space<vmem>> -> memref<1x128x128xf32, #tpu.memory_space<vmem>>
        %dma_start3A_109 = tpu.memref_squeeze %dma_start3A_108 : memref<1x128x128xf32, #tpu.memory_space<vmem>> -> memref<128x128xf32, #tpu.memory_space<vmem>>
        %dma_start3A_110 = arith.constant 0 : i32
        %dma_start3A_111 = tpu.memref_slice %arg8[%add3A_104, %dma_start3A_110] : memref<40x128xi32, #tpu.memory_space<vmem>> -> memref<1x128xi32, #tpu.memory_space<vmem>>
        %dma_start3A_112 = tpu.memref_squeeze %dma_start3A_111 : memref<1x128xi32, #tpu.memory_space<vmem>> -> memref<128xi32, #tpu.memory_space<vmem>>
        %dma_start3A_113 = arith.constant 0 : i32
        %dma_start3A_114 = arith.constant 0 : i32
        %dma_start3A_115 = tpu.memref_slice %arg2[%dma_start3A_113, %dma_start3A_114] : memref<10240x128xf32, #tpu.memory_space<hbm>> -> memref<10240x128xf32, #tpu.memory_space<hbm>>
        tpu.enqueue_indirect_dma source(%dma_start3A_115 : memref<10240x128xf32, #tpu.memory_space<hbm>>) target(%dma_start3A_109 : memref<128x128xf32, #tpu.memory_space<vmem>>) offsets(%dma_start3A_112 : memref<128xi32, #tpu.memory_space<vmem>>) semaphore(%arg13 : memref<!tpu.dma_semaphore, #tpu.memory_space<semaphore_mem>>)
        %dma_wait3A_116 = arith.constant 0 : i32
        %dma_wait3A_117 = arith.constant 0 : i32
        %dma_wait3A_118 = arith.constant 0 : i32
        %dma_wait3A_119 = tpu.memref_slice %arg10[%dma_wait3A_116, %dma_wait3A_117, %dma_wait3A_118] : memref<2x128x128xf32, #tpu.memory_space<vmem>> -> memref<1x128x128xf32, #tpu.memory_space<vmem>>
        %dma_wait3A_120 = tpu.memref_squeeze %dma_wait3A_119 : memref<1x128x128xf32, #tpu.memory_space<vmem>> -> memref<128x128xf32, #tpu.memory_space<vmem>>
        %dma_wait3A_121 = arith.constant 0 : i32
        %dma_wait3A_122 = tpu.memref_slice %arg8[%mul3A_100, %dma_wait3A_121] : memref<40x128xi32, #tpu.memory_space<vmem>> -> memref<1x128xi32, #tpu.memory_space<vmem>>
        %dma_wait3A_123 = tpu.memref_squeeze %dma_wait3A_122 : memref<1x128xi32, #tpu.memory_space<vmem>> -> memref<128xi32, #tpu.memory_space<vmem>>
        %dma_wait3A_124 = arith.constant 0 : i32
        %dma_wait3A_125 = arith.constant 0 : i32
        %dma_wait3A_126 = tpu.memref_slice %arg2[%dma_wait3A_124, %dma_wait3A_125] : memref<10240x128xf32, #tpu.memory_space<hbm>> -> memref<10240x128xf32, #tpu.memory_space<hbm>>
        tpu.wait_indirect_dma semaphore(%arg12 : memref<!tpu.dma_semaphore, #tpu.memory_space<semaphore_mem>>) src(%dma_wait3A_126 : memref<10240x128xf32, #tpu.memory_space<hbm>>) dst(%dma_wait3A_120 : memref<128x128xf32, #tpu.memory_space<vmem>>)
        %dma_start3A_127 = arith.constant 0 : i32
        %dma_start3A_128 = arith.constant 0 : i32
        %dma_start3A_129 = arith.constant 0 : i32
        %dma_start3A_130 = tpu.memref_slice %arg10[%dma_start3A_127, %dma_start3A_128, %dma_start3A_129] : memref<2x128x128xf32, #tpu.memory_space<vmem>> -> memref<1x128x128xf32, #tpu.memory_space<vmem>>
        %dma_start3A_131 = tpu.memref_squeeze %dma_start3A_130 : memref<1x128x128xf32, #tpu.memory_space<vmem>> -> memref<128x128xf32, #tpu.memory_space<vmem>>
        %dma_start3A_132 = arith.constant 0 : i32
        %dma_start3A_133 = tpu.memref_slice %arg9[%mul3A_100, %dma_start3A_132] : memref<40x128xi32, #tpu.memory_space<vmem>> -> memref<1x128xi32, #tpu.memory_space<vmem>>
        %dma_start3A_134 = tpu.memref_squeeze %dma_start3A_133 : memref<1x128xi32, #tpu.memory_space<vmem>> -> memref<128xi32, #tpu.memory_space<vmem>>
        %dma_start3A_135 = arith.constant 0 : i32
        %dma_start3A_136 = arith.constant 0 : i32
        %dma_start3A_137 = tpu.memref_slice %arg11[%dma_start3A_135, %dma_start3A_136] : memref<10240x128xf32, #tpu.memory_space<vmem_shared>> -> memref<10240x128xf32, #tpu.memory_space<vmem_shared>>
        tpu.enqueue_indirect_dma source(%dma_start3A_131 : memref<128x128xf32, #tpu.memory_space<vmem>>) target(%dma_start3A_137 : memref<10240x128xf32, #tpu.memory_space<vmem_shared>>) offsets(%dma_start3A_134 : memref<128xi32, #tpu.memory_space<vmem>>) semaphore(%arg14 : memref<!tpu.dma_semaphore, #tpu.memory_space<semaphore_mem>>) {add = true}
        %add3A_138 = arith.constant 1 : i32
        %add3A_139 = arith.addi %mul3A_100, %add3A_138 : i32
        %lt3A = arith.constant 19 : i32
        %lt3A_140 = arith.cmpi slt, %scan3A_97, %lt3A : i32
        %convert_element_type3A_141 = arith.extui %lt3A_140 : i1 to i32
        %cond3A_142 = arith.constant 0 : i32
        %cond3A_143 = arith.cmpi ne, %convert_element_type3A_141, %cond3A_142 : i32
        scf.if %cond3A_143 {
          %sub3A = arith.constant 1 : i32
          %sub3A_167 = arith.subi %add3A_139, %sub3A : i32
          %dma_wait3A_168 = arith.constant 0 : i32
          %dma_wait3A_169 = arith.constant 0 : i32
          %dma_wait3A_170 = arith.constant 0 : i32
          %dma_wait3A_171 = tpu.memref_slice %arg10[%dma_wait3A_168, %dma_wait3A_169, %dma_wait3A_170] : memref<2x128x128xf32, #tpu.memory_space<vmem>> -> memref<1x128x128xf32, #tpu.memory_space<vmem>>
          %dma_wait3A_172 = tpu.memref_squeeze %dma_wait3A_171 : memref<1x128x128xf32, #tpu.memory_space<vmem>> -> memref<128x128xf32, #tpu.memory_space<vmem>>
          %dma_wait3A_173 = arith.constant 0 : i32
          %dma_wait3A_174 = tpu.memref_slice %arg9[%sub3A_167, %dma_wait3A_173] : memref<40x128xi32, #tpu.memory_space<vmem>> -> memref<1x128xi32, #tpu.memory_space<vmem>>
          %dma_wait3A_175 = tpu.memref_squeeze %dma_wait3A_174 : memref<1x128xi32, #tpu.memory_space<vmem>> -> memref<128xi32, #tpu.memory_space<vmem>>
          %dma_wait3A_176 = arith.constant 0 : i32
          %dma_wait3A_177 = arith.constant 0 : i32
          %dma_wait3A_178 = tpu.memref_slice %arg11[%dma_wait3A_176, %dma_wait3A_177] : memref<10240x128xf32, #tpu.memory_space<vmem_shared>> -> memref<10240x128xf32, #tpu.memory_space<vmem_shared>>
          tpu.wait_indirect_dma semaphore(%arg14 : memref<!tpu.dma_semaphore, #tpu.memory_space<semaphore_mem>>) src(%dma_wait3A_172 : memref<128x128xf32, #tpu.memory_space<vmem>>) dst(%dma_wait3A_178 : memref<10240x128xf32, #tpu.memory_space<vmem_shared>>)
          %add3A_179 = arith.constant 1 : i32
          %add3A_180 = arith.addi %add3A_139, %add3A_179 : i32
          %dma_start3A_181 = arith.constant 0 : i32
          %dma_start3A_182 = arith.constant 0 : i32
          %dma_start3A_183 = arith.constant 0 : i32
          %dma_start3A_184 = tpu.memref_slice %arg10[%dma_start3A_181, %dma_start3A_182, %dma_start3A_183] : memref<2x128x128xf32, #tpu.memory_space<vmem>> -> memref<1x128x128xf32, #tpu.memory_space<vmem>>
          %dma_start3A_185 = tpu.memref_squeeze %dma_start3A_184 : memref<1x128x128xf32, #tpu.memory_space<vmem>> -> memref<128x128xf32, #tpu.memory_space<vmem>>
          %dma_start3A_186 = arith.constant 0 : i32
          %dma_start3A_187 = tpu.memref_slice %arg8[%add3A_180, %dma_start3A_186] : memref<40x128xi32, #tpu.memory_space<vmem>> -> memref<1x128xi32, #tpu.memory_space<vmem>>
          %dma_start3A_188 = tpu.memref_squeeze %dma_start3A_187 : memref<1x128xi32, #tpu.memory_space<vmem>> -> memref<128xi32, #tpu.memory_space<vmem>>
          %dma_start3A_189 = arith.constant 0 : i32
          %dma_start3A_190 = arith.constant 0 : i32
          %dma_start3A_191 = tpu.memref_slice %arg2[%dma_start3A_189, %dma_start3A_190] : memref<10240x128xf32, #tpu.memory_space<hbm>> -> memref<10240x128xf32, #tpu.memory_space<hbm>>
          tpu.enqueue_indirect_dma source(%dma_start3A_191 : memref<10240x128xf32, #tpu.memory_space<hbm>>) target(%dma_start3A_185 : memref<128x128xf32, #tpu.memory_space<vmem>>) offsets(%dma_start3A_188 : memref<128xi32, #tpu.memory_space<vmem>>) semaphore(%arg12 : memref<!tpu.dma_semaphore, #tpu.memory_space<semaphore_mem>>)
        } else {
        }
        %dma_wait3A_144 = arith.constant 1 : i32
        %dma_wait3A_145 = arith.constant 0 : i32
        %dma_wait3A_146 = arith.constant 0 : i32
        %dma_wait3A_147 = tpu.memref_slice %arg10[%dma_wait3A_144, %dma_wait3A_145, %dma_wait3A_146] : memref<2x128x128xf32, #tpu.memory_space<vmem>> -> memref<1x128x128xf32, #tpu.memory_space<vmem>>
        %dma_wait3A_148 = tpu.memref_squeeze %dma_wait3A_147 : memref<1x128x128xf32, #tpu.memory_space<vmem>> -> memref<128x128xf32, #tpu.memory_space<vmem>>
        %dma_wait3A_149 = arith.constant 0 : i32
        %dma_wait3A_150 = tpu.memref_slice %arg8[%add3A_139, %dma_wait3A_149] : memref<40x128xi32, #tpu.memory_space<vmem>> -> memref<1x128xi32, #tpu.memory_space<vmem>>
        %dma_wait3A_151 = tpu.memref_squeeze %dma_wait3A_150 : memref<1x128xi32, #tpu.memory_space<vmem>> -> memref<128xi32, #tpu.memory_space<vmem>>
        %dma_wait3A_152 = arith.constant 0 : i32
        %dma_wait3A_153 = arith.constant 0 : i32
        %dma_wait3A_154 = tpu.memref_slice %arg2[%dma_wait3A_152, %dma_wait3A_153] : memref<10240x128xf32, #tpu.memory_space<hbm>> -> memref<10240x128xf32, #tpu.memory_space<hbm>>
        tpu.wait_indirect_dma semaphore(%arg13 : memref<!tpu.dma_semaphore, #tpu.memory_space<semaphore_mem>>) src(%dma_wait3A_154 : memref<10240x128xf32, #tpu.memory_space<hbm>>) dst(%dma_wait3A_148 : memref<128x128xf32, #tpu.memory_space<vmem>>)
        %dma_start3A_155 = arith.constant 1 : i32
        %dma_start3A_156 = arith.constant 0 : i32
        %dma_start3A_157 = arith.constant 0 : i32
        %dma_start3A_158 = tpu.memref_slice %arg10[%dma_start3A_155, %dma_start3A_156, %dma_start3A_157] : memref<2x128x128xf32, #tpu.memory_space<vmem>> -> memref<1x128x128xf32, #tpu.memory_space<vmem>>
        %dma_start3A_159 = tpu.memref_squeeze %dma_start3A_158 : memref<1x128x128xf32, #tpu.memory_space<vmem>> -> memref<128x128xf32, #tpu.memory_space<vmem>>
        %dma_start3A_160 = arith.constant 0 : i32
        %dma_start3A_161 = tpu.memref_slice %arg9[%add3A_139, %dma_start3A_160] : memref<40x128xi32, #tpu.memory_space<vmem>> -> memref<1x128xi32, #tpu.memory_space<vmem>>
        %dma_start3A_162 = tpu.memref_squeeze %dma_start3A_161 : memref<1x128xi32, #tpu.memory_space<vmem>> -> memref<128xi32, #tpu.memory_space<vmem>>
        %dma_start3A_163 = arith.constant 0 : i32
        %dma_start3A_164 = arith.constant 0 : i32
        %dma_start3A_165 = tpu.memref_slice %arg11[%dma_start3A_163, %dma_start3A_164] : memref<10240x128xf32, #tpu.memory_space<vmem_shared>> -> memref<10240x128xf32, #tpu.memory_space<vmem_shared>>
        tpu.enqueue_indirect_dma source(%dma_start3A_159 : memref<128x128xf32, #tpu.memory_space<vmem>>) target(%dma_start3A_165 : memref<10240x128xf32, #tpu.memory_space<vmem_shared>>) offsets(%dma_start3A_162 : memref<128xi32, #tpu.memory_space<vmem>>) semaphore(%arg15 : memref<!tpu.dma_semaphore, #tpu.memory_space<semaphore_mem>>) {add = true}
        %scan3A_166 = arith.constant 0 : i32
        scf.yield %scan3A_166 : i32
      }
      %scan3A_71 = arith.constant 20 : i32
      %dma_wait3A_72 = arith.constant 0 : i32
      %dma_wait3A_73 = arith.constant 38 : i32
      %dma_wait3A_74 = arith.constant 0 : i32
      %dma_wait3A_75 = arith.constant 0 : i32
      %dma_wait3A_76 = tpu.memref_slice %arg10[%dma_wait3A_72, %dma_wait3A_74, %dma_wait3A_75] : memref<2x128x128xf32, #tpu.memory_space<vmem>> -> memref<1x128x128xf32, #tpu.memory_space<vmem>>
      %dma_wait3A_77 = tpu.memref_squeeze %dma_wait3A_76 : memref<1x128x128xf32, #tpu.memory_space<vmem>> -> memref<128x128xf32, #tpu.memory_space<vmem>>
      %dma_wait3A_78 = arith.constant 0 : i32
      %dma_wait3A_79 = tpu.memref_slice %arg9[%dma_wait3A_73, %dma_wait3A_78] : memref<40x128xi32, #tpu.memory_space<vmem>> -> memref<1x128xi32, #tpu.memory_space<vmem>>
      %dma_wait3A_80 = tpu.memref_squeeze %dma_wait3A_79 : memref<1x128xi32, #tpu.memory_space<vmem>> -> memref<128xi32, #tpu.memory_space<vmem>>
      %dma_wait3A_81 = arith.constant 0 : i32
      %dma_wait3A_82 = arith.constant 0 : i32
      %dma_wait3A_83 = tpu.memref_slice %arg11[%dma_wait3A_81, %dma_wait3A_82] : memref<10240x128xf32, #tpu.memory_space<vmem_shared>> -> memref<10240x128xf32, #tpu.memory_space<vmem_shared>>
      tpu.wait_indirect_dma semaphore(%arg14 : memref<!tpu.dma_semaphore, #tpu.memory_space<semaphore_mem>>) src(%dma_wait3A_77 : memref<128x128xf32, #tpu.memory_space<vmem>>) dst(%dma_wait3A_83 : memref<10240x128xf32, #tpu.memory_space<vmem_shared>>)
      %dma_wait3A_84 = arith.constant 1 : i32
      %dma_wait3A_85 = arith.constant 39 : i32
      %dma_wait3A_86 = arith.constant 0 : i32
      %dma_wait3A_87 = arith.constant 0 : i32
      %dma_wait3A_88 = tpu.memref_slice %arg10[%dma_wait3A_84, %dma_wait3A_86, %dma_wait3A_87] : memref<2x128x128xf32, #tpu.memory_space<vmem>> -> memref<1x128x128xf32, #tpu.memory_space<vmem>>
      %dma_wait3A_89 = tpu.memref_squeeze %dma_wait3A_88 : memref<1x128x128xf32, #tpu.memory_space<vmem>> -> memref<128x128xf32, #tpu.memory_space<vmem>>
      %dma_wait3A_90 = arith.constant 0 : i32
      %dma_wait3A_91 = tpu.memref_slice %arg9[%dma_wait3A_85, %dma_wait3A_90] : memref<40x128xi32, #tpu.memory_space<vmem>> -> memref<1x128xi32, #tpu.memory_space<vmem>>
      %dma_wait3A_92 = tpu.memref_squeeze %dma_wait3A_91 : memref<1x128xi32, #tpu.memory_space<vmem>> -> memref<128xi32, #tpu.memory_space<vmem>>
      %dma_wait3A_93 = arith.constant 0 : i32
      %dma_wait3A_94 = arith.constant 0 : i32
      %dma_wait3A_95 = tpu.memref_slice %arg11[%dma_wait3A_93, %dma_wait3A_94] : memref<10240x128xf32, #tpu.memory_space<vmem_shared>> -> memref<10240x128xf32, #tpu.memory_space<vmem_shared>>
      tpu.wait_indirect_dma semaphore(%arg15 : memref<!tpu.dma_semaphore, #tpu.memory_space<semaphore_mem>>) src(%dma_wait3A_89 : memref<128x128xf32, #tpu.memory_space<vmem>>) dst(%dma_wait3A_95 : memref<10240x128xf32, #tpu.memory_space<vmem_shared>>)
      %scan3A_96 = arith.constant 0 : i32
      scf.yield %scan3A_96 : i32
    }
    %scan3A_14 = arith.constant 2 : i32
    %barrier3A_15 = arith.constant 0 : index
    tpu.barrier barrier_id(%barrier3A_15)
    %mul3A_16 = arith.constant 640 : i32
    %mul3A_17 = arith.muli %arg1, %mul3A_16 : i32
    %multiple_of3A_18 = tpu.assume_multiple %mul3A_17, 128 : i32
    "tpu.region"() ({
      %run_scoped3A = tpu.sem_alloc : memref<!tpu.dma_semaphore, #tpu.memory_space<semaphore_mem>>
      %dma_start3A_19 = arith.constant 0 : i32
      %dma_start3A_20 = tpu.memref_slice %arg7[%arg0, %multiple_of3A_18, %dma_start3A_19] : memref<2x10240x128xf32, #tpu.memory_space<hbm>> -> memref<1x640x128xf32, #tpu.memory_space<hbm>>
      %dma_start3A_21 = tpu.memref_squeeze %dma_start3A_20 : memref<1x640x128xf32, #tpu.memory_space<hbm>> -> memref<640x128xf32, #tpu.memory_space<hbm>>
      %dma_start3A_22 = arith.constant 0 : i32
      %dma_start3A_23 = tpu.memref_slice %arg11[%multiple_of3A_18, %dma_start3A_22] : memref<10240x128xf32, #tpu.memory_space<vmem_shared>> -> memref<640x128xf32, #tpu.memory_space<vmem_shared>>
      tpu.enqueue_dma source(%dma_start3A_23 : memref<640x128xf32, #tpu.memory_space<vmem_shared>>) target(%dma_start3A_21 : memref<640x128xf32, #tpu.memory_space<hbm>>) target_semaphore(%run_scoped3A : memref<!tpu.dma_semaphore, #tpu.memory_space<semaphore_mem>>)
      %dma_wait3A_24 = arith.constant 0 : i32
      %dma_wait3A_25 = tpu.memref_slice %arg7[%arg0, %multiple_of3A_18, %dma_wait3A_24] : memref<2x10240x128xf32, #tpu.memory_space<hbm>> -> memref<1x640x128xf32, #tpu.memory_space<hbm>>
      %dma_wait3A_26 = tpu.memref_squeeze %dma_wait3A_25 : memref<1x640x128xf32, #tpu.memory_space<hbm>> -> memref<640x128xf32, #tpu.memory_space<hbm>>
      %dma_wait3A_27 = arith.constant 0 : i32
      %dma_wait3A_28 = tpu.memref_slice %arg11[%multiple_of3A_18, %dma_wait3A_27] : memref<10240x128xf32, #tpu.memory_space<vmem_shared>> -> memref<640x128xf32, #tpu.memory_space<vmem_shared>>
      tpu.wait_dma2 semaphore(%run_scoped3A : memref<!tpu.dma_semaphore, #tpu.memory_space<semaphore_mem>>) src(%dma_wait3A_28 : memref<640x128xf32, #tpu.memory_space<vmem_shared>>) dst(%dma_wait3A_26 : memref<640x128xf32, #tpu.memory_space<hbm>>)
      tpu.yield
    }) : () -> ()
    return
  }
}

#map = affine_map<(d0, d1) -> (0, 0)>
#map1 = affine_map<(d0, d1) -> (0, 0, 0, 0)>
#map2 = affine_map<(d0, d1) -> (0)>
#map3 = affine_map<(d0, d1) -> (0, 0, 0)>
module attributes {stable_mosaic.version = 14 : i64} {
  func.func @edge_kernel(%arg0: i32, %arg1: i32, %arg2: memref<10240x128xf32, #tpu.memory_space<hbm>>, %arg3: memref<32x2x40x128xi32, #tpu.memory_space<hbm>>, %arg4: memref<32x2x40x128xi32, #tpu.memory_space<hbm>>, %arg5: memref<10240x128xf32, #tpu.memory_space<hbm>>, %arg6: memref<10240xf32, #tpu.memory_space<hbm>>, %arg7: memref<2x10240x128xf32, #tpu.memory_space<hbm>>, %arg8: memref<2x1x10240xf32, #tpu.memory_space<hbm>>, %arg9: memref<40x128xi32, #tpu.memory_space<vmem>>, %arg10: memref<40x128xi32, #tpu.memory_space<vmem>>, %arg11: memref<2x128x128xf32, #tpu.memory_space<vmem>>, %arg12: memref<10240x128xf32, #tpu.memory_space<vmem_shared>>, %arg13: memref<!tpu.dma_semaphore, #tpu.memory_space<semaphore_mem>>, %arg14: memref<!tpu.dma_semaphore, #tpu.memory_space<semaphore_mem>>, %arg15: memref<!tpu.dma_semaphore, #tpu.memory_space<semaphore_mem>>, %arg16: memref<!tpu.dma_semaphore, #tpu.memory_space<semaphore_mem>>, %arg17: memref<128xf32, #tpu.memory_space<vmem>>, %arg18: memref<10240xf32, #tpu.memory_space<vmem_shared>>, %arg19: memref<!tpu.dma_semaphore, #tpu.memory_space<semaphore_mem>>) attributes {dimension_semantics = [#tpu.dimension_semantics<core_parallel>, #tpu.dimension_semantics<subcore_parallel>], iteration_bounds = array<i64: 2, 16>, scalar_prefetch = 0 : i64, scratch_operands = 11 : i64, tpu.core_type = #tpu.core_type<sc_vector_subcore>, window_params = [{transform_indices = #map}, {transform_indices = #map1}, {transform_indices = #map1}, {transform_indices = #map}, {transform_indices = #map2}, {transform_indices = #map3}, {transform_indices = #map3}]} {
    %mul3A = arith.constant 2 : i32
    %mul3A_0 = arith.muli %arg1, %mul3A : i32
    %add3A = arith.addi %mul3A_0, %arg0 : i32
    %mul3A_1 = arith.constant 640 : i32
    %mul3A_2 = arith.muli %arg1, %mul3A_1 : i32
    %multiple_of3A = tpu.assume_multiple %mul3A_2, 128 : i32
    %dma_start3A = arith.constant 0 : i32
    %dma_start3A_3 = tpu.memref_slice %arg12[%multiple_of3A, %dma_start3A] : memref<10240x128xf32, #tpu.memory_space<vmem_shared>> -> memref<640x128xf32, #tpu.memory_space<vmem_shared>>
    %dma_start3A_4 = arith.constant 0 : i32
    %dma_start3A_5 = tpu.memref_slice %arg5[%multiple_of3A, %dma_start3A_4] : memref<10240x128xf32, #tpu.memory_space<hbm>> -> memref<640x128xf32, #tpu.memory_space<hbm>>
    tpu.enqueue_dma source(%dma_start3A_5 : memref<640x128xf32, #tpu.memory_space<hbm>>) target(%dma_start3A_3 : memref<640x128xf32, #tpu.memory_space<vmem_shared>>) target_semaphore(%arg15 : memref<!tpu.dma_semaphore, #tpu.memory_space<semaphore_mem>>)
    "tpu.region"() ({
      %run_scoped3A_33 = tpu.sem_alloc : memref<!tpu.dma_semaphore, #tpu.memory_space<semaphore_mem>>
      %dma_start3A_34 = tpu.memref_slice %arg18[%multiple_of3A] : memref<10240xf32, #tpu.memory_space<vmem_shared>> -> memref<640xf32, #tpu.memory_space<vmem_shared>>
      %dma_start3A_35 = tpu.memref_slice %arg6[%multiple_of3A] : memref<10240xf32, #tpu.memory_space<hbm>> -> memref<640xf32, #tpu.memory_space<hbm>>
      tpu.enqueue_dma source(%dma_start3A_35 : memref<640xf32, #tpu.memory_space<hbm>>) target(%dma_start3A_34 : memref<640xf32, #tpu.memory_space<vmem_shared>>) target_semaphore(%run_scoped3A_33 : memref<!tpu.dma_semaphore, #tpu.memory_space<semaphore_mem>>)
      %dma_wait3A_36 = tpu.memref_slice %arg18[%multiple_of3A] : memref<10240xf32, #tpu.memory_space<vmem_shared>> -> memref<640xf32, #tpu.memory_space<vmem_shared>>
      %dma_wait3A_37 = tpu.memref_slice %arg6[%multiple_of3A] : memref<10240xf32, #tpu.memory_space<hbm>> -> memref<640xf32, #tpu.memory_space<hbm>>
      tpu.wait_dma2 semaphore(%run_scoped3A_33 : memref<!tpu.dma_semaphore, #tpu.memory_space<semaphore_mem>>) src(%dma_wait3A_37 : memref<640xf32, #tpu.memory_space<hbm>>) dst(%dma_wait3A_36 : memref<640xf32, #tpu.memory_space<vmem_shared>>)
      tpu.yield
    }) : () -> ()
    %scan3A = arith.constant 0 : i32
    %scan3A_6 = arith.constant 0 : i32
    %scan3A_7 = arith.constant 8 : i32
    %scan3A_8 = arith.addi %scan3A_6, %scan3A_7 : i32
    %scan3A_9 = arith.constant 1 : i32
    %scan3A_10 = scf.for %scan3A_33 = %scan3A_6 to %scan3A_8 step %scan3A_9 iter_args(%scan3A_34 = %scan3A) -> (i32)  : i32 {
      %broadcast_in_dim3A = arith.constant 1.000000e+00 : f32
      %broadcast_in_dim3A_35 = vector.broadcast %broadcast_in_dim3A : f32 to vector<16xf32>
      %mul3A_36 = arith.constant 16 : i32
      %mul3A_37 = arith.muli %scan3A_33, %mul3A_36 : i32
      %swap3A = arith.index_cast %mul3A_37 : i32 to index
      %swap3A_38 = tpu.vector_load %arg17[%swap3A] {strides = array<i32>} : memref<128xf32, #tpu.memory_space<vmem>>, vector<16xf32>,
      %swap3A_39 = vector.shape_cast %swap3A_38 : vector<16xf32> to vector<16xf32>
      %swap3A_40 = vector.shape_cast %broadcast_in_dim3A_35 : vector<16xf32> to vector<16xf32>
      tpu.vector_store %arg17[%swap3A], %swap3A_40 {strides = array<i32>} : memref<128xf32, #tpu.memory_space<vmem>>, vector<16xf32>,
      %scan3A_41 = arith.constant 0 : i32
      scf.yield %scan3A_41 : i32
    }
    %scan3A_11 = arith.constant 8 : i32
    %dma_wait3A = arith.constant 0 : i32
    %dma_wait3A_12 = tpu.memref_slice %arg12[%multiple_of3A, %dma_wait3A] : memref<10240x128xf32, #tpu.memory_space<vmem_shared>> -> memref<640x128xf32, #tpu.memory_space<vmem_shared>>
    %dma_wait3A_13 = arith.constant 0 : i32
    %dma_wait3A_14 = tpu.memref_slice %arg5[%multiple_of3A, %dma_wait3A_13] : memref<10240x128xf32, #tpu.memory_space<hbm>> -> memref<640x128xf32, #tpu.memory_space<hbm>>
    tpu.wait_dma2 semaphore(%arg15 : memref<!tpu.dma_semaphore, #tpu.memory_space<semaphore_mem>>) src(%dma_wait3A_14 : memref<640x128xf32, #tpu.memory_space<hbm>>) dst(%dma_wait3A_12 : memref<640x128xf32, #tpu.memory_space<vmem_shared>>)
    %barrier3A = arith.constant 0 : index
    tpu.barrier barrier_id(%barrier3A)
    %scan3A_15 = arith.constant 0 : i32
    %scan3A_16 = arith.constant 0 : i32
    %scan3A_17 = arith.constant 2 : i32
    %scan3A_18 = arith.addi %scan3A_16, %scan3A_17 : i32
    %scan3A_19 = arith.constant 1 : i32
    %scan3A_20 = scf.for %scan3A_33 = %scan3A_16 to %scan3A_18 step %scan3A_19 iter_args(%scan3A_34 = %scan3A_15) -> (i32)  : i32 {
      %dma_start3A_35 = arith.constant 0 : i32
      %dma_start3A_36 = arith.constant 0 : i32
      %dma_start3A_37 = tpu.memref_slice %arg3[%add3A, %scan3A_33, %dma_start3A_35, %dma_start3A_36] : memref<32x2x40x128xi32, #tpu.memory_space<hbm>> -> memref<1x1x40x128xi32, #tpu.memory_space<hbm>>
      %dma_start3A_38 = tpu.memref_squeeze %dma_start3A_37 : memref<1x1x40x128xi32, #tpu.memory_space<hbm>> -> memref<40x128xi32, #tpu.memory_space<hbm>>
      %dma_start3A_39 = arith.constant 0 : i32
      %dma_start3A_40 = arith.constant 0 : i32
      %dma_start3A_41 = tpu.memref_slice %arg3[%add3A, %scan3A_33, %dma_start3A_39, %dma_start3A_40] : memref<32x2x40x128xi32, #tpu.memory_space<hbm>> -> memref<1x1x40x128xi32, #tpu.memory_space<hbm>>
      %dma_start3A_42 = tpu.memref_squeeze %dma_start3A_41 : memref<1x1x40x128xi32, #tpu.memory_space<hbm>> -> memref<40x128xi32, #tpu.memory_space<hbm>>
      tpu.enqueue_dma source(%dma_start3A_42 : memref<40x128xi32, #tpu.memory_space<hbm>>) target(%arg9 : memref<40x128xi32, #tpu.memory_space<vmem>>) target_semaphore(%arg13 : memref<!tpu.dma_semaphore, #tpu.memory_space<semaphore_mem>>)
      %dma_start3A_43 = arith.constant 0 : i32
      %dma_start3A_44 = arith.constant 0 : i32
      %dma_start3A_45 = tpu.memref_slice %arg4[%add3A, %scan3A_33, %dma_start3A_43, %dma_start3A_44] : memref<32x2x40x128xi32, #tpu.memory_space<hbm>> -> memref<1x1x40x128xi32, #tpu.memory_space<hbm>>
      %dma_start3A_46 = tpu.memref_squeeze %dma_start3A_45 : memref<1x1x40x128xi32, #tpu.memory_space<hbm>> -> memref<40x128xi32, #tpu.memory_space<hbm>>
      %dma_start3A_47 = arith.constant 0 : i32
      %dma_start3A_48 = arith.constant 0 : i32
      %dma_start3A_49 = tpu.memref_slice %arg4[%add3A, %scan3A_33, %dma_start3A_47, %dma_start3A_48] : memref<32x2x40x128xi32, #tpu.memory_space<hbm>> -> memref<1x1x40x128xi32, #tpu.memory_space<hbm>>
      %dma_start3A_50 = tpu.memref_squeeze %dma_start3A_49 : memref<1x1x40x128xi32, #tpu.memory_space<hbm>> -> memref<40x128xi32, #tpu.memory_space<hbm>>
      tpu.enqueue_dma source(%dma_start3A_50 : memref<40x128xi32, #tpu.memory_space<hbm>>) target(%arg10 : memref<40x128xi32, #tpu.memory_space<vmem>>) target_semaphore(%arg14 : memref<!tpu.dma_semaphore, #tpu.memory_space<semaphore_mem>>)
      %dma_wait3A_51 = arith.constant 0 : i32
      %dma_wait3A_52 = arith.constant 0 : i32
      %dma_wait3A_53 = tpu.memref_slice %arg3[%add3A, %scan3A_33, %dma_wait3A_51, %dma_wait3A_52] : memref<32x2x40x128xi32, #tpu.memory_space<hbm>> -> memref<1x1x40x128xi32, #tpu.memory_space<hbm>>
      %dma_wait3A_54 = tpu.memref_squeeze %dma_wait3A_53 : memref<1x1x40x128xi32, #tpu.memory_space<hbm>> -> memref<40x128xi32, #tpu.memory_space<hbm>>
      %dma_wait3A_55 = arith.constant 0 : i32
      %dma_wait3A_56 = arith.constant 0 : i32
      %dma_wait3A_57 = tpu.memref_slice %arg3[%add3A, %scan3A_33, %dma_wait3A_55, %dma_wait3A_56] : memref<32x2x40x128xi32, #tpu.memory_space<hbm>> -> memref<1x1x40x128xi32, #tpu.memory_space<hbm>>
      %dma_wait3A_58 = tpu.memref_squeeze %dma_wait3A_57 : memref<1x1x40x128xi32, #tpu.memory_space<hbm>> -> memref<40x128xi32, #tpu.memory_space<hbm>>
      tpu.wait_dma2 semaphore(%arg13 : memref<!tpu.dma_semaphore, #tpu.memory_space<semaphore_mem>>) src(%dma_wait3A_58 : memref<40x128xi32, #tpu.memory_space<hbm>>) dst(%arg9 : memref<40x128xi32, #tpu.memory_space<vmem>>)
      %dma_wait3A_59 = arith.constant 0 : i32
      %dma_wait3A_60 = arith.constant 0 : i32
      %dma_wait3A_61 = tpu.memref_slice %arg4[%add3A, %scan3A_33, %dma_wait3A_59, %dma_wait3A_60] : memref<32x2x40x128xi32, #tpu.memory_space<hbm>> -> memref<1x1x40x128xi32, #tpu.memory_space<hbm>>
      %dma_wait3A_62 = tpu.memref_squeeze %dma_wait3A_61 : memref<1x1x40x128xi32, #tpu.memory_space<hbm>> -> memref<40x128xi32, #tpu.memory_space<hbm>>
      %dma_wait3A_63 = arith.constant 0 : i32
      %dma_wait3A_64 = arith.constant 0 : i32
      %dma_wait3A_65 = tpu.memref_slice %arg4[%add3A, %scan3A_33, %dma_wait3A_63, %dma_wait3A_64] : memref<32x2x40x128xi32, #tpu.memory_space<hbm>> -> memref<1x1x40x128xi32, #tpu.memory_space<hbm>>
      %dma_wait3A_66 = tpu.memref_squeeze %dma_wait3A_65 : memref<1x1x40x128xi32, #tpu.memory_space<hbm>> -> memref<40x128xi32, #tpu.memory_space<hbm>>
      tpu.wait_dma2 semaphore(%arg14 : memref<!tpu.dma_semaphore, #tpu.memory_space<semaphore_mem>>) src(%dma_wait3A_66 : memref<40x128xi32, #tpu.memory_space<hbm>>) dst(%arg10 : memref<40x128xi32, #tpu.memory_space<vmem>>)
      %dma_start3A_67 = arith.constant 0 : i32
      %dma_start3A_68 = arith.constant 0 : i32
      %dma_start3A_69 = arith.constant 0 : i32
      %dma_start3A_70 = arith.constant 0 : i32
      %dma_start3A_71 = tpu.memref_slice %arg11[%dma_start3A_68, %dma_start3A_69, %dma_start3A_70] : memref<2x128x128xf32, #tpu.memory_space<vmem>> -> memref<1x128x128xf32, #tpu.memory_space<vmem>>
      %dma_start3A_72 = tpu.memref_squeeze %dma_start3A_71 : memref<1x128x128xf32, #tpu.memory_space<vmem>> -> memref<128x128xf32, #tpu.memory_space<vmem>>
      %dma_start3A_73 = arith.constant 0 : i32
      %dma_start3A_74 = tpu.memref_slice %arg9[%dma_start3A_67, %dma_start3A_73] : memref<40x128xi32, #tpu.memory_space<vmem>> -> memref<1x128xi32, #tpu.memory_space<vmem>>
      %dma_start3A_75 = tpu.memref_squeeze %dma_start3A_74 : memref<1x128xi32, #tpu.memory_space<vmem>> -> memref<128xi32, #tpu.memory_space<vmem>>
      %dma_start3A_76 = arith.constant 0 : i32
      %dma_start3A_77 = arith.constant 0 : i32
      %dma_start3A_78 = tpu.memref_slice %arg2[%dma_start3A_76, %dma_start3A_77] : memref<10240x128xf32, #tpu.memory_space<hbm>> -> memref<10240x128xf32, #tpu.memory_space<hbm>>
      tpu.enqueue_indirect_dma source(%dma_start3A_78 : memref<10240x128xf32, #tpu.memory_space<hbm>>) target(%dma_start3A_72 : memref<128x128xf32, #tpu.memory_space<vmem>>) offsets(%dma_start3A_75 : memref<128xi32, #tpu.memory_space<vmem>>) semaphore(%arg13 : memref<!tpu.dma_semaphore, #tpu.memory_space<semaphore_mem>>)
      %scan3A_79 = arith.constant 0 : i32
      %scan3A_80 = arith.constant 0 : i32
      %scan3A_81 = arith.constant 20 : i32
      %scan3A_82 = arith.addi %scan3A_80, %scan3A_81 : i32
      %scan3A_83 = arith.constant 1 : i32
      %scan3A_84 = scf.for %scan3A_111 = %scan3A_80 to %scan3A_82 step %scan3A_83 iter_args(%scan3A_112 = %scan3A_79) -> (i32)  : i32 {
        %mul3A_113 = arith.constant 2 : i32
        %mul3A_114 = arith.muli %mul3A_113, %scan3A_111 : i32
        %gt3A = arith.constant 0 : i32
        %gt3A_115 = arith.cmpi sgt, %scan3A_111, %gt3A : i32
        %convert_element_type3A = arith.extui %gt3A_115 : i1 to i32
        %cond3A = arith.constant 0 : i32
        %cond3A_116 = arith.cmpi ne, %convert_element_type3A, %cond3A : i32
        scf.if %cond3A_116 {
          %sub3A = arith.constant 1 : i32
          %sub3A_191 = arith.subi %mul3A_114, %sub3A : i32
          %dma_wait3A_192 = arith.constant 1 : i32
          %dma_wait3A_193 = arith.constant 0 : i32
          %dma_wait3A_194 = arith.constant 0 : i32
          %dma_wait3A_195 = tpu.memref_slice %arg11[%dma_wait3A_192, %dma_wait3A_193, %dma_wait3A_194] : memref<2x128x128xf32, #tpu.memory_space<vmem>> -> memref<1x128x128xf32, #tpu.memory_space<vmem>>
          %dma_wait3A_196 = tpu.memref_squeeze %dma_wait3A_195 : memref<1x128x128xf32, #tpu.memory_space<vmem>> -> memref<128x128xf32, #tpu.memory_space<vmem>>
          %dma_wait3A_197 = arith.constant 0 : i32
          %dma_wait3A_198 = tpu.memref_slice %arg10[%sub3A_191, %dma_wait3A_197] : memref<40x128xi32, #tpu.memory_space<vmem>> -> memref<1x128xi32, #tpu.memory_space<vmem>>
          %dma_wait3A_199 = tpu.memref_squeeze %dma_wait3A_198 : memref<1x128xi32, #tpu.memory_space<vmem>> -> memref<128xi32, #tpu.memory_space<vmem>>
          %dma_wait3A_200 = arith.constant 0 : i32
          %dma_wait3A_201 = arith.constant 0 : i32
          %dma_wait3A_202 = tpu.memref_slice %arg12[%dma_wait3A_200, %dma_wait3A_201] : memref<10240x128xf32, #tpu.memory_space<vmem_shared>> -> memref<10240x128xf32, #tpu.memory_space<vmem_shared>>
          tpu.wait_indirect_dma semaphore(%arg16 : memref<!tpu.dma_semaphore, #tpu.memory_space<semaphore_mem>>) src(%dma_wait3A_196 : memref<128x128xf32, #tpu.memory_space<vmem>>) dst(%dma_wait3A_202 : memref<10240x128xf32, #tpu.memory_space<vmem_shared>>)
        } else {
        }
        %add3A_117 = arith.constant 1 : i32
        %add3A_118 = arith.addi %mul3A_114, %add3A_117 : i32
        %dma_start3A_119 = arith.constant 1 : i32
        %dma_start3A_120 = arith.constant 0 : i32
        %dma_start3A_121 = arith.constant 0 : i32
        %dma_start3A_122 = tpu.memref_slice %arg11[%dma_start3A_119, %dma_start3A_120, %dma_start3A_121] : memref<2x128x128xf32, #tpu.memory_space<vmem>> -> memref<1x128x128xf32, #tpu.memory_space<vmem>>
        %dma_start3A_123 = tpu.memref_squeeze %dma_start3A_122 : memref<1x128x128xf32, #tpu.memory_space<vmem>> -> memref<128x128xf32, #tpu.memory_space<vmem>>
        %dma_start3A_124 = arith.constant 0 : i32
        %dma_start3A_125 = tpu.memref_slice %arg9[%add3A_118, %dma_start3A_124] : memref<40x128xi32, #tpu.memory_space<vmem>> -> memref<1x128xi32, #tpu.memory_space<vmem>>
        %dma_start3A_126 = tpu.memref_squeeze %dma_start3A_125 : memref<1x128xi32, #tpu.memory_space<vmem>> -> memref<128xi32, #tpu.memory_space<vmem>>
        %dma_start3A_127 = arith.constant 0 : i32
        %dma_start3A_128 = arith.constant 0 : i32
        %dma_start3A_129 = tpu.memref_slice %arg2[%dma_start3A_127, %dma_start3A_128] : memref<10240x128xf32, #tpu.memory_space<hbm>> -> memref<10240x128xf32, #tpu.memory_space<hbm>>
        tpu.enqueue_indirect_dma source(%dma_start3A_129 : memref<10240x128xf32, #tpu.memory_space<hbm>>) target(%dma_start3A_123 : memref<128x128xf32, #tpu.memory_space<vmem>>) offsets(%dma_start3A_126 : memref<128xi32, #tpu.memory_space<vmem>>) semaphore(%arg14 : memref<!tpu.dma_semaphore, #tpu.memory_space<semaphore_mem>>)
        %dma_wait3A_130 = arith.constant 0 : i32
        %dma_wait3A_131 = arith.constant 0 : i32
        %dma_wait3A_132 = arith.constant 0 : i32
        %dma_wait3A_133 = tpu.memref_slice %arg11[%dma_wait3A_130, %dma_wait3A_131, %dma_wait3A_132] : memref<2x128x128xf32, #tpu.memory_space<vmem>> -> memref<1x128x128xf32, #tpu.memory_space<vmem>>
        %dma_wait3A_134 = tpu.memref_squeeze %dma_wait3A_133 : memref<1x128x128xf32, #tpu.memory_space<vmem>> -> memref<128x128xf32, #tpu.memory_space<vmem>>
        %dma_wait3A_135 = arith.constant 0 : i32
        %dma_wait3A_136 = tpu.memref_slice %arg9[%mul3A_114, %dma_wait3A_135] : memref<40x128xi32, #tpu.memory_space<vmem>> -> memref<1x128xi32, #tpu.memory_space<vmem>>
        %dma_wait3A_137 = tpu.memref_squeeze %dma_wait3A_136 : memref<1x128xi32, #tpu.memory_space<vmem>> -> memref<128xi32, #tpu.memory_space<vmem>>
        %dma_wait3A_138 = arith.constant 0 : i32
        %dma_wait3A_139 = arith.constant 0 : i32
        %dma_wait3A_140 = tpu.memref_slice %arg2[%dma_wait3A_138, %dma_wait3A_139] : memref<10240x128xf32, #tpu.memory_space<hbm>> -> memref<10240x128xf32, #tpu.memory_space<hbm>>
        tpu.wait_indirect_dma semaphore(%arg13 : memref<!tpu.dma_semaphore, #tpu.memory_space<semaphore_mem>>) src(%dma_wait3A_140 : memref<10240x128xf32, #tpu.memory_space<hbm>>) dst(%dma_wait3A_134 : memref<128x128xf32, #tpu.memory_space<vmem>>)
        %dma_start3A_141 = arith.constant 0 : i32
        %dma_start3A_142 = tpu.memref_slice %arg10[%mul3A_114, %dma_start3A_141] : memref<40x128xi32, #tpu.memory_space<vmem>> -> memref<1x128xi32, #tpu.memory_space<vmem>>
        %dma_start3A_143 = tpu.memref_squeeze %dma_start3A_142 : memref<1x128xi32, #tpu.memory_space<vmem>> -> memref<128xi32, #tpu.memory_space<vmem>>
        %dma_start3A_144 = arith.constant 0 : i32
        %dma_start3A_145 = tpu.memref_slice %arg18[%dma_start3A_144] : memref<10240xf32, #tpu.memory_space<vmem_shared>> -> memref<10240xf32, #tpu.memory_space<vmem_shared>>
        tpu.enqueue_indirect_dma source(%arg17 : memref<128xf32, #tpu.memory_space<vmem>>) target(%dma_start3A_145 : memref<10240xf32, #tpu.memory_space<vmem_shared>>) offsets(%dma_start3A_143 : memref<128xi32, #tpu.memory_space<vmem>>) semaphore(%arg19 : memref<!tpu.dma_semaphore, #tpu.memory_space<semaphore_mem>>) {add = true}
        %dma_start3A_146 = arith.constant 0 : i32
        %dma_start3A_147 = arith.constant 0 : i32
        %dma_start3A_148 = arith.constant 0 : i32
        %dma_start3A_149 = tpu.memref_slice %arg11[%dma_start3A_146, %dma_start3A_147, %dma_start3A_148] : memref<2x128x128xf32, #tpu.memory_space<vmem>> -> memref<1x128x128xf32, #tpu.memory_space<vmem>>
        %dma_start3A_150 = tpu.memref_squeeze %dma_start3A_149 : memref<1x128x128xf32, #tpu.memory_space<vmem>> -> memref<128x128xf32, #tpu.memory_space<vmem>>
        %dma_start3A_151 = arith.constant 0 : i32
        %dma_start3A_152 = tpu.memref_slice %arg10[%mul3A_114, %dma_start3A_151] : memref<40x128xi32, #tpu.memory_space<vmem>> -> memref<1x128xi32, #tpu.memory_space<vmem>>
        %dma_start3A_153 = tpu.memref_squeeze %dma_start3A_152 : memref<1x128xi32, #tpu.memory_space<vmem>> -> memref<128xi32, #tpu.memory_space<vmem>>
        %dma_start3A_154 = arith.constant 0 : i32
        %dma_start3A_155 = arith.constant 0 : i32
        %dma_start3A_156 = tpu.memref_slice %arg12[%dma_start3A_154, %dma_start3A_155] : memref<10240x128xf32, #tpu.memory_space<vmem_shared>> -> memref<10240x128xf32, #tpu.memory_space<vmem_shared>>
        tpu.enqueue_indirect_dma source(%dma_start3A_150 : memref<128x128xf32, #tpu.memory_space<vmem>>) target(%dma_start3A_156 : memref<10240x128xf32, #tpu.memory_space<vmem_shared>>) offsets(%dma_start3A_153 : memref<128xi32, #tpu.memory_space<vmem>>) semaphore(%arg15 : memref<!tpu.dma_semaphore, #tpu.memory_space<semaphore_mem>>) {add = true}
        %add3A_157 = arith.constant 1 : i32
        %add3A_158 = arith.addi %mul3A_114, %add3A_157 : i32
        %lt3A = arith.constant 19 : i32
        %lt3A_159 = arith.cmpi slt, %scan3A_111, %lt3A : i32
        %convert_element_type3A_160 = arith.extui %lt3A_159 : i1 to i32
        %cond3A_161 = arith.constant 0 : i32
        %cond3A_162 = arith.cmpi ne, %convert_element_type3A_160, %cond3A_161 : i32
        scf.if %cond3A_162 {
          %sub3A = arith.constant 1 : i32
          %sub3A_191 = arith.subi %add3A_158, %sub3A : i32
          %dma_wait3A_192 = arith.constant 0 : i32
          %dma_wait3A_193 = arith.constant 0 : i32
          %dma_wait3A_194 = arith.constant 0 : i32
          %dma_wait3A_195 = tpu.memref_slice %arg11[%dma_wait3A_192, %dma_wait3A_193, %dma_wait3A_194] : memref<2x128x128xf32, #tpu.memory_space<vmem>> -> memref<1x128x128xf32, #tpu.memory_space<vmem>>
          %dma_wait3A_196 = tpu.memref_squeeze %dma_wait3A_195 : memref<1x128x128xf32, #tpu.memory_space<vmem>> -> memref<128x128xf32, #tpu.memory_space<vmem>>
          %dma_wait3A_197 = arith.constant 0 : i32
          %dma_wait3A_198 = tpu.memref_slice %arg10[%sub3A_191, %dma_wait3A_197] : memref<40x128xi32, #tpu.memory_space<vmem>> -> memref<1x128xi32, #tpu.memory_space<vmem>>
          %dma_wait3A_199 = tpu.memref_squeeze %dma_wait3A_198 : memref<1x128xi32, #tpu.memory_space<vmem>> -> memref<128xi32, #tpu.memory_space<vmem>>
          %dma_wait3A_200 = arith.constant 0 : i32
          %dma_wait3A_201 = arith.constant 0 : i32
          %dma_wait3A_202 = tpu.memref_slice %arg12[%dma_wait3A_200, %dma_wait3A_201] : memref<10240x128xf32, #tpu.memory_space<vmem_shared>> -> memref<10240x128xf32, #tpu.memory_space<vmem_shared>>
          tpu.wait_indirect_dma semaphore(%arg15 : memref<!tpu.dma_semaphore, #tpu.memory_space<semaphore_mem>>) src(%dma_wait3A_196 : memref<128x128xf32, #tpu.memory_space<vmem>>) dst(%dma_wait3A_202 : memref<10240x128xf32, #tpu.memory_space<vmem_shared>>)
          %add3A_203 = arith.constant 1 : i32
          %add3A_204 = arith.addi %add3A_158, %add3A_203 : i32
          %dma_start3A_205 = arith.constant 0 : i32
          %dma_start3A_206 = arith.constant 0 : i32
          %dma_start3A_207 = arith.constant 0 : i32
          %dma_start3A_208 = tpu.memref_slice %arg11[%dma_start3A_205, %dma_start3A_206, %dma_start3A_207] : memref<2x128x128xf32, #tpu.memory_space<vmem>> -> memref<1x128x128xf32, #tpu.memory_space<vmem>>
          %dma_start3A_209 = tpu.memref_squeeze %dma_start3A_208 : memref<1x128x128xf32, #tpu.memory_space<vmem>> -> memref<128x128xf32, #tpu.memory_space<vmem>>
          %dma_start3A_210 = arith.constant 0 : i32
          %dma_start3A_211 = tpu.memref_slice %arg9[%add3A_204, %dma_start3A_210] : memref<40x128xi32, #tpu.memory_space<vmem>> -> memref<1x128xi32, #tpu.memory_space<vmem>>
          %dma_start3A_212 = tpu.memref_squeeze %dma_start3A_211 : memref<1x128xi32, #tpu.memory_space<vmem>> -> memref<128xi32, #tpu.memory_space<vmem>>
          %dma_start3A_213 = arith.constant 0 : i32
          %dma_start3A_214 = arith.constant 0 : i32
          %dma_start3A_215 = tpu.memref_slice %arg2[%dma_start3A_213, %dma_start3A_214] : memref<10240x128xf32, #tpu.memory_space<hbm>> -> memref<10240x128xf32, #tpu.memory_space<hbm>>
          tpu.enqueue_indirect_dma source(%dma_start3A_215 : memref<10240x128xf32, #tpu.memory_space<hbm>>) target(%dma_start3A_209 : memref<128x128xf32, #tpu.memory_space<vmem>>) offsets(%dma_start3A_212 : memref<128xi32, #tpu.memory_space<vmem>>) semaphore(%arg13 : memref<!tpu.dma_semaphore, #tpu.memory_space<semaphore_mem>>)
        } else {
        }
        %dma_wait3A_163 = arith.constant 1 : i32
        %dma_wait3A_164 = arith.constant 0 : i32
        %dma_wait3A_165 = arith.constant 0 : i32
        %dma_wait3A_166 = tpu.memref_slice %arg11[%dma_wait3A_163, %dma_wait3A_164, %dma_wait3A_165] : memref<2x128x128xf32, #tpu.memory_space<vmem>> -> memref<1x128x128xf32, #tpu.memory_space<vmem>>
        %dma_wait3A_167 = tpu.memref_squeeze %dma_wait3A_166 : memref<1x128x128xf32, #tpu.memory_space<vmem>> -> memref<128x128xf32, #tpu.memory_space<vmem>>
        %dma_wait3A_168 = arith.constant 0 : i32
        %dma_wait3A_169 = tpu.memref_slice %arg9[%add3A_158, %dma_wait3A_168] : memref<40x128xi32, #tpu.memory_space<vmem>> -> memref<1x128xi32, #tpu.memory_space<vmem>>
        %dma_wait3A_170 = tpu.memref_squeeze %dma_wait3A_169 : memref<1x128xi32, #tpu.memory_space<vmem>> -> memref<128xi32, #tpu.memory_space<vmem>>
        %dma_wait3A_171 = arith.constant 0 : i32
        %dma_wait3A_172 = arith.constant 0 : i32
        %dma_wait3A_173 = tpu.memref_slice %arg2[%dma_wait3A_171, %dma_wait3A_172] : memref<10240x128xf32, #tpu.memory_space<hbm>> -> memref<10240x128xf32, #tpu.memory_space<hbm>>
        tpu.wait_indirect_dma semaphore(%arg14 : memref<!tpu.dma_semaphore, #tpu.memory_space<semaphore_mem>>) src(%dma_wait3A_173 : memref<10240x128xf32, #tpu.memory_space<hbm>>) dst(%dma_wait3A_167 : memref<128x128xf32, #tpu.memory_space<vmem>>)
        %dma_start3A_174 = arith.constant 0 : i32
        %dma_start3A_175 = tpu.memref_slice %arg10[%add3A_158, %dma_start3A_174] : memref<40x128xi32, #tpu.memory_space<vmem>> -> memref<1x128xi32, #tpu.memory_space<vmem>>
        %dma_start3A_176 = tpu.memref_squeeze %dma_start3A_175 : memref<1x128xi32, #tpu.memory_space<vmem>> -> memref<128xi32, #tpu.memory_space<vmem>>
        %dma_start3A_177 = arith.constant 0 : i32
        %dma_start3A_178 = tpu.memref_slice %arg18[%dma_start3A_177] : memref<10240xf32, #tpu.memory_space<vmem_shared>> -> memref<10240xf32, #tpu.memory_space<vmem_shared>>
        tpu.enqueue_indirect_dma source(%arg17 : memref<128xf32, #tpu.memory_space<vmem>>) target(%dma_start3A_178 : memref<10240xf32, #tpu.memory_space<vmem_shared>>) offsets(%dma_start3A_176 : memref<128xi32, #tpu.memory_space<vmem>>) semaphore(%arg19 : memref<!tpu.dma_semaphore, #tpu.memory_space<semaphore_mem>>) {add = true}
        %dma_start3A_179 = arith.constant 1 : i32
        %dma_start3A_180 = arith.constant 0 : i32
        %dma_start3A_181 = arith.constant 0 : i32
        %dma_start3A_182 = tpu.memref_slice %arg11[%dma_start3A_179, %dma_start3A_180, %dma_start3A_181] : memref<2x128x128xf32, #tpu.memory_space<vmem>> -> memref<1x128x128xf32, #tpu.memory_space<vmem>>
        %dma_start3A_183 = tpu.memref_squeeze %dma_start3A_182 : memref<1x128x128xf32, #tpu.memory_space<vmem>> -> memref<128x128xf32, #tpu.memory_space<vmem>>
        %dma_start3A_184 = arith.constant 0 : i32
        %dma_start3A_185 = tpu.memref_slice %arg10[%add3A_158, %dma_start3A_184] : memref<40x128xi32, #tpu.memory_space<vmem>> -> memref<1x128xi32, #tpu.memory_space<vmem>>
        %dma_start3A_186 = tpu.memref_squeeze %dma_start3A_185 : memref<1x128xi32, #tpu.memory_space<vmem>> -> memref<128xi32, #tpu.memory_space<vmem>>
        %dma_start3A_187 = arith.constant 0 : i32
        %dma_start3A_188 = arith.constant 0 : i32
        %dma_start3A_189 = tpu.memref_slice %arg12[%dma_start3A_187, %dma_start3A_188] : memref<10240x128xf32, #tpu.memory_space<vmem_shared>> -> memref<10240x128xf32, #tpu.memory_space<vmem_shared>>
        tpu.enqueue_indirect_dma source(%dma_start3A_183 : memref<128x128xf32, #tpu.memory_space<vmem>>) target(%dma_start3A_189 : memref<10240x128xf32, #tpu.memory_space<vmem_shared>>) offsets(%dma_start3A_186 : memref<128xi32, #tpu.memory_space<vmem>>) semaphore(%arg16 : memref<!tpu.dma_semaphore, #tpu.memory_space<semaphore_mem>>) {add = true}
        %scan3A_190 = arith.constant 0 : i32
        scf.yield %scan3A_190 : i32
      }
      %scan3A_85 = arith.constant 20 : i32
      %dma_wait3A_86 = arith.constant 0 : i32
      %dma_wait3A_87 = arith.constant 38 : i32
      %dma_wait3A_88 = arith.constant 0 : i32
      %dma_wait3A_89 = arith.constant 0 : i32
      %dma_wait3A_90 = tpu.memref_slice %arg11[%dma_wait3A_86, %dma_wait3A_88, %dma_wait3A_89] : memref<2x128x128xf32, #tpu.memory_space<vmem>> -> memref<1x128x128xf32, #tpu.memory_space<vmem>>
      %dma_wait3A_91 = tpu.memref_squeeze %dma_wait3A_90 : memref<1x128x128xf32, #tpu.memory_space<vmem>> -> memref<128x128xf32, #tpu.memory_space<vmem>>
      %dma_wait3A_92 = arith.constant 0 : i32
      %dma_wait3A_93 = tpu.memref_slice %arg10[%dma_wait3A_87, %dma_wait3A_92] : memref<40x128xi32, #tpu.memory_space<vmem>> -> memref<1x128xi32, #tpu.memory_space<vmem>>
      %dma_wait3A_94 = tpu.memref_squeeze %dma_wait3A_93 : memref<1x128xi32, #tpu.memory_space<vmem>> -> memref<128xi32, #tpu.memory_space<vmem>>
      %dma_wait3A_95 = arith.constant 0 : i32
      %dma_wait3A_96 = arith.constant 0 : i32
      %dma_wait3A_97 = tpu.memref_slice %arg12[%dma_wait3A_95, %dma_wait3A_96] : memref<10240x128xf32, #tpu.memory_space<vmem_shared>> -> memref<10240x128xf32, #tpu.memory_space<vmem_shared>>
      tpu.wait_indirect_dma semaphore(%arg15 : memref<!tpu.dma_semaphore, #tpu.memory_space<semaphore_mem>>) src(%dma_wait3A_91 : memref<128x128xf32, #tpu.memory_space<vmem>>) dst(%dma_wait3A_97 : memref<10240x128xf32, #tpu.memory_space<vmem_shared>>)
      %dma_wait3A_98 = arith.constant 1 : i32
      %dma_wait3A_99 = arith.constant 39 : i32
      %dma_wait3A_100 = arith.constant 0 : i32
      %dma_wait3A_101 = arith.constant 0 : i32
      %dma_wait3A_102 = tpu.memref_slice %arg11[%dma_wait3A_98, %dma_wait3A_100, %dma_wait3A_101] : memref<2x128x128xf32, #tpu.memory_space<vmem>> -> memref<1x128x128xf32, #tpu.memory_space<vmem>>
      %dma_wait3A_103 = tpu.memref_squeeze %dma_wait3A_102 : memref<1x128x128xf32, #tpu.memory_space<vmem>> -> memref<128x128xf32, #tpu.memory_space<vmem>>
      %dma_wait3A_104 = arith.constant 0 : i32
      %dma_wait3A_105 = tpu.memref_slice %arg10[%dma_wait3A_99, %dma_wait3A_104] : memref<40x128xi32, #tpu.memory_space<vmem>> -> memref<1x128xi32, #tpu.memory_space<vmem>>
      %dma_wait3A_106 = tpu.memref_squeeze %dma_wait3A_105 : memref<1x128xi32, #tpu.memory_space<vmem>> -> memref<128xi32, #tpu.memory_space<vmem>>
      %dma_wait3A_107 = arith.constant 0 : i32
      %dma_wait3A_108 = arith.constant 0 : i32
      %dma_wait3A_109 = tpu.memref_slice %arg12[%dma_wait3A_107, %dma_wait3A_108] : memref<10240x128xf32, #tpu.memory_space<vmem_shared>> -> memref<10240x128xf32, #tpu.memory_space<vmem_shared>>
      tpu.wait_indirect_dma semaphore(%arg16 : memref<!tpu.dma_semaphore, #tpu.memory_space<semaphore_mem>>) src(%dma_wait3A_103 : memref<128x128xf32, #tpu.memory_space<vmem>>) dst(%dma_wait3A_109 : memref<10240x128xf32, #tpu.memory_space<vmem_shared>>)
      %scan3A_110 = arith.constant 0 : i32
      scf.yield %scan3A_110 : i32
    }
    %scan3A_21 = arith.constant 2 : i32
    %scan3A_22 = arith.constant 0 : i32
    %scan3A_23 = arith.constant 0 : i32
    %scan3A_24 = arith.constant 80 : i32
    %scan3A_25 = arith.addi %scan3A_23, %scan3A_24 : i32
    %scan3A_26 = arith.constant 1 : i32
    %scan3A_27 = scf.for %scan3A_33 = %scan3A_23 to %scan3A_25 step %scan3A_26 iter_args(%scan3A_34 = %scan3A_22) -> (i32)  : i32 {
      %dma_wait3A_35 = arith.constant 0 : i32
      %dma_wait3A_36 = arith.constant 0 : i32
      %dma_wait3A_37 = tpu.memref_slice %arg10[%dma_wait3A_35, %dma_wait3A_36] : memref<40x128xi32, #tpu.memory_space<vmem>> -> memref<1x128xi32, #tpu.memory_space<vmem>>
      %dma_wait3A_38 = tpu.memref_squeeze %dma_wait3A_37 : memref<1x128xi32, #tpu.memory_space<vmem>> -> memref<128xi32, #tpu.memory_space<vmem>>
      %dma_wait3A_39 = arith.constant 0 : i32
      %dma_wait3A_40 = tpu.memref_slice %arg18[%dma_wait3A_39] : memref<10240xf32, #tpu.memory_space<vmem_shared>> -> memref<10240xf32, #tpu.memory_space<vmem_shared>>
      tpu.wait_indirect_dma semaphore(%arg19 : memref<!tpu.dma_semaphore, #tpu.memory_space<semaphore_mem>>) src(%arg17 : memref<128xf32, #tpu.memory_space<vmem>>) dst(%dma_wait3A_40 : memref<10240xf32, #tpu.memory_space<vmem_shared>>)
      %scan3A_41 = arith.constant 0 : i32
      scf.yield %scan3A_41 : i32
    }
    %scan3A_28 = arith.constant 80 : i32
    %barrier3A_29 = arith.constant 0 : index
    tpu.barrier barrier_id(%barrier3A_29)
    %mul3A_30 = arith.constant 640 : i32
    %mul3A_31 = arith.muli %arg1, %mul3A_30 : i32
    %multiple_of3A_32 = tpu.assume_multiple %mul3A_31, 128 : i32
    "tpu.region"() ({
      %run_scoped3A_33 = tpu.sem_alloc : memref<!tpu.dma_semaphore, #tpu.memory_space<semaphore_mem>>
      %dma_start3A_34 = arith.constant 0 : i32
      %dma_start3A_35 = tpu.memref_slice %arg7[%arg0, %multiple_of3A_32, %dma_start3A_34] : memref<2x10240x128xf32, #tpu.memory_space<hbm>> -> memref<1x640x128xf32, #tpu.memory_space<hbm>>
      %dma_start3A_36 = tpu.memref_squeeze %dma_start3A_35 : memref<1x640x128xf32, #tpu.memory_space<hbm>> -> memref<640x128xf32, #tpu.memory_space<hbm>>
      %dma_start3A_37 = arith.constant 0 : i32
      %dma_start3A_38 = tpu.memref_slice %arg12[%multiple_of3A_32, %dma_start3A_37] : memref<10240x128xf32, #tpu.memory_space<vmem_shared>> -> memref<640x128xf32, #tpu.memory_space<vmem_shared>>
      tpu.enqueue_dma source(%dma_start3A_38 : memref<640x128xf32, #tpu.memory_space<vmem_shared>>) target(%dma_start3A_36 : memref<640x128xf32, #tpu.memory_space<hbm>>) target_semaphore(%run_scoped3A_33 : memref<!tpu.dma_semaphore, #tpu.memory_space<semaphore_mem>>)
      %dma_wait3A_39 = arith.constant 0 : i32
      %dma_wait3A_40 = tpu.memref_slice %arg7[%arg0, %multiple_of3A_32, %dma_wait3A_39] : memref<2x10240x128xf32, #tpu.memory_space<hbm>> -> memref<1x640x128xf32, #tpu.memory_space<hbm>>
      %dma_wait3A_41 = tpu.memref_squeeze %dma_wait3A_40 : memref<1x640x128xf32, #tpu.memory_space<hbm>> -> memref<640x128xf32, #tpu.memory_space<hbm>>
      %dma_wait3A_42 = arith.constant 0 : i32
      %dma_wait3A_43 = tpu.memref_slice %arg12[%multiple_of3A_32, %dma_wait3A_42] : memref<10240x128xf32, #tpu.memory_space<vmem_shared>> -> memref<640x128xf32, #tpu.memory_space<vmem_shared>>
      tpu.wait_dma2 semaphore(%run_scoped3A_33 : memref<!tpu.dma_semaphore, #tpu.memory_space<semaphore_mem>>) src(%dma_wait3A_43 : memref<640x128xf32, #tpu.memory_space<vmem_shared>>) dst(%dma_wait3A_41 : memref<640x128xf32, #tpu.memory_space<hbm>>)
      tpu.yield
    }) : () -> ()
    %run_scoped3A = arith.constant 0 : i32
    "tpu.region"() ({
      %run_scoped3A_33 = tpu.sem_alloc : memref<!tpu.dma_semaphore, #tpu.memory_space<semaphore_mem>>
      %dma_start3A_34 = tpu.memref_slice %arg8[%arg0, %run_scoped3A, %multiple_of3A_32] : memref<2x1x10240xf32, #tpu.memory_space<hbm>> -> memref<1x1x640xf32, #tpu.memory_space<hbm>>
      %dma_start3A_35 = tpu.memref_squeeze %dma_start3A_34 : memref<1x1x640xf32, #tpu.memory_space<hbm>> -> memref<640xf32, #tpu.memory_space<hbm>>
      %dma_start3A_36 = tpu.memref_slice %arg18[%multiple_of3A_32] : memref<10240xf32, #tpu.memory_space<vmem_shared>> -> memref<640xf32, #tpu.memory_space<vmem_shared>>
      tpu.enqueue_dma source(%dma_start3A_36 : memref<640xf32, #tpu.memory_space<vmem_shared>>) target(%dma_start3A_35 : memref<640xf32, #tpu.memory_space<hbm>>) target_semaphore(%run_scoped3A_33 : memref<!tpu.dma_semaphore, #tpu.memory_space<semaphore_mem>>)
      %dma_wait3A_37 = tpu.memref_slice %arg8[%arg0, %run_scoped3A, %multiple_of3A_32] : memref<2x1x10240xf32, #tpu.memory_space<hbm>> -> memref<1x1x640xf32, #tpu.memory_space<hbm>>
      %dma_wait3A_38 = tpu.memref_squeeze %dma_wait3A_37 : memref<1x1x640xf32, #tpu.memory_space<hbm>> -> memref<640xf32, #tpu.memory_space<hbm>>
      %dma_wait3A_39 = tpu.memref_slice %arg18[%multiple_of3A_32] : memref<10240xf32, #tpu.memory_space<vmem_shared>> -> memref<640xf32, #tpu.memory_space<vmem_shared>>
      tpu.wait_dma2 semaphore(%run_scoped3A_33 : memref<!tpu.dma_semaphore, #tpu.memory_space<semaphore_mem>>) src(%dma_wait3A_39 : memref<640xf32, #tpu.memory_space<vmem_shared>>) dst(%dma_wait3A_38 : memref<640xf32, #tpu.memory_space<hbm>>)
      tpu.yield
    }) : () -> ()
    return
  }
}

module attributes {stable_mosaic.version = 14 : i64} {
  func.func @_mm_body(%arg0: i32, %arg1: memref<2000x128xf32, #tpu.memory_space<vmem>>, %arg2: memref<128x128xf32, #tpu.memory_space<vmem>>, %arg3: memref<2000x128xf32, #tpu.memory_space<vmem>>) attributes {dimension_semantics = [#tpu.dimension_semantics<arbitrary>], iteration_bounds = array<i64: 5>, scalar_prefetch = 0 : i64, scratch_operands = 0 : i64, tpu.core_type = #tpu.core_type<tc>, window_params = [{transform_indices = @transform_0, window_bounds = array<i64: 2000, 128>}, {pipeline_mode = #tpu.pipeline_mode<synchronous>, transform_indices = @transform_1, window_bounds = array<i64: 128, 128>}, {transform_indices = @transform_2, window_bounds = array<i64: 2000, 128>}]} {
    %get3A = arith.constant 0 : index
    %get3A_0 = arith.constant 0 : index
    %get3A_1 = vector.load %arg1[%get3A, %get3A_0] : memref<2000x128xf32, #tpu.memory_space<vmem>>, vector<2000x128xf32>
    %get3A_2 = arith.constant 0 : index
    %get3A_3 = arith.constant 0 : index
    %get3A_4 = vector.load %arg2[%get3A_2, %get3A_3] : memref<128x128xf32, #tpu.memory_space<vmem>>, vector<128x128xf32>
    %dot_general3A = arith.constant dense<0.000000e+00> : vector<2000x128xf32>
    %dot_general3A_5 = tpu.matmul %get3A_1, %get3A_4, %dot_general3A {dimension_numbers = #tpu.dot_dimension_numbers<[1], [0], [0], [1], [0, 0, 1, 1], [], []>, transpose_lhs_hint = false} : vector<2000x128xf32>, vector<128x128xf32>, vector<2000x128xf32> -> vector<2000x128xf32>
    %swap3A = arith.constant 0 : index
    %swap3A_6 = arith.constant 0 : index
    %swap3A_7 = vector.load %arg3[%swap3A, %swap3A_6] : memref<2000x128xf32, #tpu.memory_space<vmem>>, vector<2000x128xf32>
    tpu.vector_store %arg3[%swap3A, %swap3A_6], %dot_general3A_5 {strides = array<i32>} : memref<2000x128xf32, #tpu.memory_space<vmem>>, vector<2000x128xf32>,
    return
  }
  func.func @transform_0(%arg0: i32) -> (i32, i32) {
    %c0_i32 = arith.constant 0 : i32
    %c0_i32_0 = arith.constant 0 : i32
    return %arg0, %c0_i32 : i32, i32
  }
  func.func @transform_1(%arg0: i32) -> (i32, i32) {
    %c0_i32 = arith.constant 0 : i32
    %c0_i32_0 = arith.constant 0 : i32
    %c0_i32_1 = arith.constant 0 : i32
    return %c0_i32, %c0_i32_0 : i32, i32
  }
  func.func @transform_2(%arg0: i32) -> (i32, i32) {
    %c0_i32 = arith.constant 0 : i32
    %c0_i32_0 = arith.constant 0 : i32
    return %arg0, %c0_i32 : i32, i32
  }
}

module attributes {stable_mosaic.version = 14 : i64} {
  func.func @_gru_mm_body(%arg0: i32, %arg1: memref<1x2000x128xf32, #tpu.memory_space<vmem>>, %arg2: memref<1x2000x128xf32, #tpu.memory_space<vmem>>, %arg3: memref<2000x1xf32, #tpu.memory_space<vmem>>, %arg4: memref<2000x1xf32, #tpu.memory_space<vmem>>, %arg5: memref<2000x128xf32, #tpu.memory_space<vmem>>, %arg6: memref<128x384xf32, #tpu.memory_space<vmem>>, %arg7: memref<128x384xf32, #tpu.memory_space<vmem>>, %arg8: memref<1x384xf32, #tpu.memory_space<vmem>>, %arg9: memref<1x384xf32, #tpu.memory_space<vmem>>, %arg10: memref<128x128xf32, #tpu.memory_space<vmem>>, %arg11: memref<2000x128xf32, #tpu.memory_space<vmem>>, %arg12: memref<2000x128xf32, #tpu.memory_space<vmem>>) attributes {dimension_semantics = [#tpu.dimension_semantics<arbitrary>], iteration_bounds = array<i64: 5>, scalar_prefetch = 0 : i64, scratch_operands = 0 : i64, tpu.core_type = #tpu.core_type<tc>, window_params = [{transform_indices = @transform_0, window_bounds = array<i64: 1, 2000, 128>}, {transform_indices = @transform_1, window_bounds = array<i64: 1, 2000, 128>}, {transform_indices = @transform_2, window_bounds = array<i64: 2000, 1>}, {transform_indices = @transform_3, window_bounds = array<i64: 2000, 1>}, {transform_indices = @transform_4, window_bounds = array<i64: 2000, 128>}, {pipeline_mode = #tpu.pipeline_mode<synchronous>, transform_indices = @transform_5, window_bounds = array<i64: 128, 384>}, {pipeline_mode = #tpu.pipeline_mode<synchronous>, transform_indices = @transform_6, window_bounds = array<i64: 128, 384>}, {pipeline_mode = #tpu.pipeline_mode<synchronous>, transform_indices = @transform_7, window_bounds = array<i64: 1, 384>}, {pipeline_mode = #tpu.pipeline_mode<synchronous>, transform_indices = @transform_8, window_bounds = array<i64: 1, 384>}, {pipeline_mode = #tpu.pipeline_mode<synchronous>, transform_indices = @transform_9, window_bounds = array<i64: 128, 128>}, {transform_indices = @transform_10, window_bounds = array<i64: 2000, 128>}, {transform_indices = @transform_11, window_bounds = array<i64: 2000, 128>}]} {
    %get3A = arith.constant 0 : index
    %get3A_0 = arith.constant 0 : index
    %get3A_1 = vector.load %arg3[%get3A, %get3A_0] : memref<2000x1xf32, #tpu.memory_space<vmem>>, vector<2000x1xf32>
    %get3A_2 = arith.constant 0 : index
    %get3A_3 = arith.constant 0 : index
    %get3A_4 = vector.load %arg4[%get3A_2, %get3A_3] : memref<2000x1xf32, #tpu.memory_space<vmem>>, vector<2000x1xf32>
    %add3A = arith.addf %get3A_1, %get3A_4 : vector<2000x1xf32>
    %max3A = arith.constant 1.000000e+00 : f32
    %max3A_5 = vector.broadcast %max3A : f32 to vector<2000x1xf32>
    %max3A_6 = arith.maximumf %add3A, %max3A_5 : vector<2000x1xf32>
    %get3A_7 = arith.constant 0 : index
    %get3A_8 = arith.constant 0 : index
    %get3A_9 = arith.constant 0 : index
    %get3A_10 = vector.load %arg1[%get3A_7, %get3A_8, %get3A_9] : memref<1x2000x128xf32, #tpu.memory_space<vmem>>, vector<1x2000x128xf32>
    %get3A_11 = vector.shape_cast %get3A_10 : vector<1x2000x128xf32> to vector<2000x128xf32>
    %get3A_12 = arith.constant 0 : index
    %get3A_13 = arith.constant 0 : index
    %get3A_14 = arith.constant 0 : index
    %get3A_15 = vector.load %arg2[%get3A_12, %get3A_13, %get3A_14] : memref<1x2000x128xf32, #tpu.memory_space<vmem>>, vector<1x2000x128xf32>
    %get3A_16 = vector.shape_cast %get3A_15 : vector<1x2000x128xf32> to vector<2000x128xf32>
    %add3A_17 = arith.addf %get3A_11, %get3A_16 : vector<2000x128xf32>
    %div3A = vector.broadcast %max3A_6 : vector<2000x1xf32> to vector<2000x128xf32>
    %div3A_18 = arith.divf %add3A_17, %div3A : vector<2000x128xf32>
    %get3A_19 = arith.constant 0 : index
    %get3A_20 = arith.constant 0 : index
    %get3A_21 = vector.load %arg5[%get3A_19, %get3A_20] : memref<2000x128xf32, #tpu.memory_space<vmem>>, vector<2000x128xf32>
    %get3A_22 = arith.constant 0 : index
    %get3A_23 = arith.constant 0 : index
    %get3A_24 = vector.load %arg6[%get3A_22, %get3A_23] : memref<128x384xf32, #tpu.memory_space<vmem>>, vector<128x384xf32>
    %dot_general3A = arith.constant dense<0.000000e+00> : vector<2000x384xf32>
    %dot_general3A_25 = tpu.matmul %div3A_18, %get3A_24, %dot_general3A {dimension_numbers = #tpu.dot_dimension_numbers<[1], [0], [0], [1], [0, 0, 1, 1], [], []>, transpose_lhs_hint = false} : vector<2000x128xf32>, vector<128x384xf32>, vector<2000x384xf32> -> vector<2000x384xf32>
    %get3A_26 = arith.constant 0 : index
    %get3A_27 = arith.constant 0 : index
    %get3A_28 = vector.load %arg8[%get3A_26, %get3A_27] : memref<1x384xf32, #tpu.memory_space<vmem>>, vector<1x384xf32>
    %add3A_29 = vector.broadcast %get3A_28 : vector<1x384xf32> to vector<2000x384xf32>
    %add3A_30 = arith.addf %dot_general3A_25, %add3A_29 : vector<2000x384xf32>
    %get3A_31 = arith.constant 0 : index
    %get3A_32 = arith.constant 0 : index
    %get3A_33 = vector.load %arg7[%get3A_31, %get3A_32] : memref<128x384xf32, #tpu.memory_space<vmem>>, vector<128x384xf32>
    %dot_general3A_34 = arith.constant dense<0.000000e+00> : vector<2000x384xf32>
    %dot_general3A_35 = tpu.matmul %get3A_21, %get3A_33, %dot_general3A_34 {dimension_numbers = #tpu.dot_dimension_numbers<[1], [0], [0], [1], [0, 0, 1, 1], [], []>, transpose_lhs_hint = false} : vector<2000x128xf32>, vector<128x384xf32>, vector<2000x384xf32> -> vector<2000x384xf32>
    %get3A_36 = arith.constant 0 : index
    %get3A_37 = arith.constant 0 : index
    %get3A_38 = vector.load %arg9[%get3A_36, %get3A_37] : memref<1x384xf32, #tpu.memory_space<vmem>>, vector<1x384xf32>
    %add3A_39 = vector.broadcast %get3A_38 : vector<1x384xf32> to vector<2000x384xf32>
    %add3A_40 = arith.addf %dot_general3A_35, %add3A_39 : vector<2000x384xf32>
    %slice3A = vector.extract_strided_slice %add3A_30 {offsets = [0, 0], sizes = [2000, 128], strides = [1, 1]} : vector<2000x384xf32> to vector<2000x128xf32>
    %slice3A_41 = vector.extract_strided_slice %add3A_30 {offsets = [0, 128], sizes = [2000, 128], strides = [1, 1]} : vector<2000x384xf32> to vector<2000x128xf32>
    %slice3A_42 = vector.extract_strided_slice %add3A_30 {offsets = [0, 256], sizes = [2000, 128], strides = [1, 1]} : vector<2000x384xf32> to vector<2000x128xf32>
    %slice3A_43 = vector.extract_strided_slice %add3A_40 {offsets = [0, 0], sizes = [2000, 128], strides = [1, 1]} : vector<2000x384xf32> to vector<2000x128xf32>
    %slice3A_44 = vector.extract_strided_slice %add3A_40 {offsets = [0, 128], sizes = [2000, 128], strides = [1, 1]} : vector<2000x384xf32> to vector<2000x128xf32>
    %slice3A_45 = vector.extract_strided_slice %add3A_40 {offsets = [0, 256], sizes = [2000, 128], strides = [1, 1]} : vector<2000x384xf32> to vector<2000x128xf32>
    %add3A_46 = arith.addf %slice3A, %slice3A_43 : vector<2000x128xf32>
    %logistic3A = arith.negf %add3A_46 : vector<2000x128xf32>
    %logistic3A_47 = math.exp %logistic3A : vector<2000x128xf32>
    %logistic3A_48 = arith.constant 1.000000e+00 : f32
    %logistic3A_49 = vector.broadcast %logistic3A_48 : f32 to vector<2000x128xf32>
    %logistic3A_50 = arith.addf %logistic3A_49, %logistic3A_47 : vector<2000x128xf32>
    %logistic3A_51 = arith.divf %logistic3A_49, %logistic3A_50 : vector<2000x128xf32>
    %add3A_52 = arith.addf %slice3A_41, %slice3A_44 : vector<2000x128xf32>
    %logistic3A_53 = arith.negf %add3A_52 : vector<2000x128xf32>
    %logistic3A_54 = math.exp %logistic3A_53 : vector<2000x128xf32>
    %logistic3A_55 = arith.constant 1.000000e+00 : f32
    %logistic3A_56 = vector.broadcast %logistic3A_55 : f32 to vector<2000x128xf32>
    %logistic3A_57 = arith.addf %logistic3A_56, %logistic3A_54 : vector<2000x128xf32>
    %logistic3A_58 = arith.divf %logistic3A_56, %logistic3A_57 : vector<2000x128xf32>
    %mul3A = arith.mulf %logistic3A_51, %slice3A_45 : vector<2000x128xf32>
    %add3A_59 = arith.addf %slice3A_42, %mul3A : vector<2000x128xf32>
    %tanh3A = math.tanh %add3A_59 : vector<2000x128xf32>
    %sub3A = arith.constant 1.000000e+00 : f32
    %sub3A_60 = vector.broadcast %sub3A : f32 to vector<2000x128xf32>
    %sub3A_61 = arith.subf %sub3A_60, %logistic3A_58 : vector<2000x128xf32>
    %mul3A_62 = arith.mulf %sub3A_61, %tanh3A : vector<2000x128xf32>
    %mul3A_63 = arith.mulf %logistic3A_58, %get3A_21 : vector<2000x128xf32>
    %add3A_64 = arith.addf %mul3A_62, %mul3A_63 : vector<2000x128xf32>
    %swap3A = arith.constant 0 : index
    %swap3A_65 = arith.constant 0 : index
    %swap3A_66 = vector.load %arg11[%swap3A, %swap3A_65] : memref<2000x128xf32, #tpu.memory_space<vmem>>, vector<2000x128xf32>
    tpu.vector_store %arg11[%swap3A, %swap3A_65], %add3A_64 {strides = array<i32>} : memref<2000x128xf32, #tpu.memory_space<vmem>>, vector<2000x128xf32>,
    %get3A_67 = arith.constant 0 : index
    %get3A_68 = arith.constant 0 : index
    %get3A_69 = vector.load %arg10[%get3A_67, %get3A_68] : memref<128x128xf32, #tpu.memory_space<vmem>>, vector<128x128xf32>
    %dot_general3A_70 = arith.constant dense<0.000000e+00> : vector<2000x128xf32>
    %dot_general3A_71 = tpu.matmul %add3A_64, %get3A_69, %dot_general3A_70 {dimension_numbers = #tpu.dot_dimension_numbers<[1], [0], [0], [1], [0, 0, 1, 1], [], []>, transpose_lhs_hint = false} : vector<2000x128xf32>, vector<128x128xf32>, vector<2000x128xf32> -> vector<2000x128xf32>
    %swap3A_72 = arith.constant 0 : index
    %swap3A_73 = arith.constant 0 : index
    %swap3A_74 = vector.load %arg12[%swap3A_72, %swap3A_73] : memref<2000x128xf32, #tpu.memory_space<vmem>>, vector<2000x128xf32>
    tpu.vector_store %arg12[%swap3A_72, %swap3A_73], %dot_general3A_71 {strides = array<i32>} : memref<2000x128xf32, #tpu.memory_space<vmem>>, vector<2000x128xf32>,
    return
  }
  func.func @transform_0(%arg0: i32) -> (i32, i32, i32) {
    %c0_i32 = arith.constant 0 : i32
    %c0_i32_0 = arith.constant 0 : i32
    %c0_i32_1 = arith.constant 0 : i32
    return %c0_i32, %arg0, %c0_i32_0 : i32, i32, i32
  }
  func.func @transform_1(%arg0: i32) -> (i32, i32, i32) {
    %c1_i32 = arith.constant 1 : i32
    %c0_i32 = arith.constant 0 : i32
    %c0_i32_0 = arith.constant 0 : i32
    return %c1_i32, %arg0, %c0_i32 : i32, i32, i32
  }
  func.func @transform_2(%arg0: i32) -> (i32, i32) {
    %c0_i32 = arith.constant 0 : i32
    %c0_i32_0 = arith.constant 0 : i32
    return %arg0, %c0_i32 : i32, i32
  }
  func.func @transform_3(%arg0: i32) -> (i32, i32) {
    %c0_i32 = arith.constant 0 : i32
    %c0_i32_0 = arith.constant 0 : i32
    return %arg0, %c0_i32 : i32, i32
  }
  func.func @transform_4(%arg0: i32) -> (i32, i32) {
    %c0_i32 = arith.constant 0 : i32
    %c0_i32_0 = arith.constant 0 : i32
    return %arg0, %c0_i32 : i32, i32
  }
  func.func @transform_5(%arg0: i32) -> (i32, i32) {
    %c0_i32 = arith.constant 0 : i32
    %c0_i32_0 = arith.constant 0 : i32
    %c0_i32_1 = arith.constant 0 : i32
    return %c0_i32, %c0_i32_0 : i32, i32
  }
  func.func @transform_6(%arg0: i32) -> (i32, i32) {
    %c0_i32 = arith.constant 0 : i32
    %c0_i32_0 = arith.constant 0 : i32
    %c0_i32_1 = arith.constant 0 : i32
    return %c0_i32, %c0_i32_0 : i32, i32
  }
  func.func @transform_7(%arg0: i32) -> (i32, i32) {
    %c0_i32 = arith.constant 0 : i32
    %c0_i32_0 = arith.constant 0 : i32
    %c0_i32_1 = arith.constant 0 : i32
    return %c0_i32, %c0_i32_0 : i32, i32
  }
  func.func @transform_8(%arg0: i32) -> (i32, i32) {
    %c0_i32 = arith.constant 0 : i32
    %c0_i32_0 = arith.constant 0 : i32
    %c0_i32_1 = arith.constant 0 : i32
    return %c0_i32, %c0_i32_0 : i32, i32
  }
  func.func @transform_9(%arg0: i32) -> (i32, i32) {
    %c0_i32 = arith.constant 0 : i32
    %c0_i32_0 = arith.constant 0 : i32
    %c0_i32_1 = arith.constant 0 : i32
    return %c0_i32, %c0_i32_0 : i32, i32
  }
  func.func @transform_10(%arg0: i32) -> (i32, i32) {
    %c0_i32 = arith.constant 0 : i32
    %c0_i32_0 = arith.constant 0 : i32
    return %arg0, %c0_i32 : i32, i32
  }
  func.func @transform_11(%arg0: i32) -> (i32, i32) {
    %c0_i32 = arith.constant 0 : i32
    %c0_i32_0 = arith.constant 0 : i32
    return %arg0, %c0_i32 : i32, i32
  }
}

module attributes {stable_mosaic.version = 14 : i64} {
  func.func @_gru_pool_body(%arg0: i32, %arg1: memref<1x2000x128xf32, #tpu.memory_space<vmem>>, %arg2: memref<1x2000x128xf32, #tpu.memory_space<vmem>>, %arg3: memref<2000x1xf32, #tpu.memory_space<vmem>>, %arg4: memref<2000x1xf32, #tpu.memory_space<vmem>>, %arg5: memref<2000x128xf32, #tpu.memory_space<vmem>>, %arg6: memref<128x384xf32, #tpu.memory_space<vmem>>, %arg7: memref<128x384xf32, #tpu.memory_space<vmem>>, %arg8: memref<1x384xf32, #tpu.memory_space<vmem>>, %arg9: memref<1x384xf32, #tpu.memory_space<vmem>>, %arg10: memref<1x1x2000xi32, #tpu.memory_space<vmem>>, %arg11: memref<128x128xf32, #tpu.memory_space<vmem>>, %arg12: memref<1x128xf32, #tpu.memory_space<vmem>>, %arg13: memref<64x128xf32, #tpu.memory_space<vmem>>, %arg14: memref<64x128xf32, #tpu.memory_space<vmem>>, %arg15: memref<64x1xf32, #tpu.memory_space<vmem>>) attributes {dimension_semantics = [#tpu.dimension_semantics<arbitrary>], iteration_bounds = array<i64: 5>, scalar_prefetch = 0 : i64, scratch_operands = 2 : i64, tpu.core_type = #tpu.core_type<tc>, window_params = [{transform_indices = @transform_0, window_bounds = array<i64: 1, 2000, 128>}, {transform_indices = @transform_1, window_bounds = array<i64: 1, 2000, 128>}, {transform_indices = @transform_2, window_bounds = array<i64: 2000, 1>}, {transform_indices = @transform_3, window_bounds = array<i64: 2000, 1>}, {transform_indices = @transform_4, window_bounds = array<i64: 2000, 128>}, {pipeline_mode = #tpu.pipeline_mode<synchronous>, transform_indices = @transform_5, window_bounds = array<i64: 128, 384>}, {pipeline_mode = #tpu.pipeline_mode<synchronous>, transform_indices = @transform_6, window_bounds = array<i64: 128, 384>}, {pipeline_mode = #tpu.pipeline_mode<synchronous>, transform_indices = @transform_7, window_bounds = array<i64: 1, 384>}, {pipeline_mode = #tpu.pipeline_mode<synchronous>, transform_indices = @transform_8, window_bounds = array<i64: 1, 384>}, {transform_indices = @transform_9, window_bounds = array<i64: 1, 1, 2000>}, {pipeline_mode = #tpu.pipeline_mode<synchronous>, transform_indices = @transform_10, window_bounds = array<i64: 128, 128>}, {pipeline_mode = #tpu.pipeline_mode<synchronous>, transform_indices = @transform_11, window_bounds = array<i64: 1, 128>}, {pipeline_mode = #tpu.pipeline_mode<synchronous>, transform_indices = @transform_12, window_bounds = array<i64: 64, 128>}]} {
    %eq3A = arith.constant 0 : i32
    %eq3A_0 = arith.cmpi eq, %arg0, %eq3A : i32
    %convert_element_type3A = arith.extui %eq3A_0 : i1 to i32
    %cond3A = arith.constant 0 : i32
    %cond3A_1 = arith.cmpi ne, %convert_element_type3A, %cond3A : i32
    scf.if %cond3A_1 {
      %broadcast_in_dim3A_102 = arith.constant 0.000000e+00 : f32
      %broadcast_in_dim3A_103 = vector.broadcast %broadcast_in_dim3A_102 : f32 to vector<64x128xf32>
      %swap3A_104 = arith.constant 0 : index
      %swap3A_105 = arith.constant 0 : index
      %swap3A_106 = vector.load %arg14[%swap3A_104, %swap3A_105] : memref<64x128xf32, #tpu.memory_space<vmem>>, vector<64x128xf32>
      tpu.vector_store %arg14[%swap3A_104, %swap3A_105], %broadcast_in_dim3A_103 {strides = array<i32>} : memref<64x128xf32, #tpu.memory_space<vmem>>, vector<64x128xf32>,
      %broadcast_in_dim3A_107 = arith.constant 0.000000e+00 : f32
      %broadcast_in_dim3A_108 = vector.broadcast %broadcast_in_dim3A_107 : f32 to vector<64x1xf32>
      %swap3A_109 = arith.constant 0 : index
      %swap3A_110 = arith.constant 0 : index
      %swap3A_111 = vector.load %arg15[%swap3A_109, %swap3A_110] : memref<64x1xf32, #tpu.memory_space<vmem>>, vector<64x1xf32>
      tpu.vector_store %arg15[%swap3A_109, %swap3A_110], %broadcast_in_dim3A_108 {strides = array<i32>} : memref<64x1xf32, #tpu.memory_space<vmem>>, vector<64x1xf32>,
    } else {
    }
    %get3A = arith.constant 0 : index
    %get3A_2 = arith.constant 0 : index
    %get3A_3 = vector.load %arg3[%get3A, %get3A_2] : memref<2000x1xf32, #tpu.memory_space<vmem>>, vector<2000x1xf32>
    %get3A_4 = arith.constant 0 : index
    %get3A_5 = arith.constant 0 : index
    %get3A_6 = vector.load %arg4[%get3A_4, %get3A_5] : memref<2000x1xf32, #tpu.memory_space<vmem>>, vector<2000x1xf32>
    %add3A = arith.addf %get3A_3, %get3A_6 : vector<2000x1xf32>
    %max3A = arith.constant 1.000000e+00 : f32
    %max3A_7 = vector.broadcast %max3A : f32 to vector<2000x1xf32>
    %max3A_8 = arith.maximumf %add3A, %max3A_7 : vector<2000x1xf32>
    %get3A_9 = arith.constant 0 : index
    %get3A_10 = arith.constant 0 : index
    %get3A_11 = arith.constant 0 : index
    %get3A_12 = vector.load %arg1[%get3A_9, %get3A_10, %get3A_11] : memref<1x2000x128xf32, #tpu.memory_space<vmem>>, vector<1x2000x128xf32>
    %get3A_13 = vector.shape_cast %get3A_12 : vector<1x2000x128xf32> to vector<2000x128xf32>
    %get3A_14 = arith.constant 0 : index
    %get3A_15 = arith.constant 0 : index
    %get3A_16 = arith.constant 0 : index
    %get3A_17 = vector.load %arg2[%get3A_14, %get3A_15, %get3A_16] : memref<1x2000x128xf32, #tpu.memory_space<vmem>>, vector<1x2000x128xf32>
    %get3A_18 = vector.shape_cast %get3A_17 : vector<1x2000x128xf32> to vector<2000x128xf32>
    %add3A_19 = arith.addf %get3A_13, %get3A_18 : vector<2000x128xf32>
    %div3A = vector.broadcast %max3A_8 : vector<2000x1xf32> to vector<2000x128xf32>
    %div3A_20 = arith.divf %add3A_19, %div3A : vector<2000x128xf32>
    %get3A_21 = arith.constant 0 : index
    %get3A_22 = arith.constant 0 : index
    %get3A_23 = vector.load %arg5[%get3A_21, %get3A_22] : memref<2000x128xf32, #tpu.memory_space<vmem>>, vector<2000x128xf32>
    %get3A_24 = arith.constant 0 : index
    %get3A_25 = arith.constant 0 : index
    %get3A_26 = vector.load %arg6[%get3A_24, %get3A_25] : memref<128x384xf32, #tpu.memory_space<vmem>>, vector<128x384xf32>
    %dot_general3A = arith.constant dense<0.000000e+00> : vector<2000x384xf32>
    %dot_general3A_27 = tpu.matmul %div3A_20, %get3A_26, %dot_general3A {dimension_numbers = #tpu.dot_dimension_numbers<[1], [0], [0], [1], [0, 0, 1, 1], [], []>, transpose_lhs_hint = false} : vector<2000x128xf32>, vector<128x384xf32>, vector<2000x384xf32> -> vector<2000x384xf32>
    %get3A_28 = arith.constant 0 : index
    %get3A_29 = arith.constant 0 : index
    %get3A_30 = vector.load %arg8[%get3A_28, %get3A_29] : memref<1x384xf32, #tpu.memory_space<vmem>>, vector<1x384xf32>
    %add3A_31 = vector.broadcast %get3A_30 : vector<1x384xf32> to vector<2000x384xf32>
    %add3A_32 = arith.addf %dot_general3A_27, %add3A_31 : vector<2000x384xf32>
    %get3A_33 = arith.constant 0 : index
    %get3A_34 = arith.constant 0 : index
    %get3A_35 = vector.load %arg7[%get3A_33, %get3A_34] : memref<128x384xf32, #tpu.memory_space<vmem>>, vector<128x384xf32>
    %dot_general3A_36 = arith.constant dense<0.000000e+00> : vector<2000x384xf32>
    %dot_general3A_37 = tpu.matmul %get3A_23, %get3A_35, %dot_general3A_36 {dimension_numbers = #tpu.dot_dimension_numbers<[1], [0], [0], [1], [0, 0, 1, 1], [], []>, transpose_lhs_hint = false} : vector<2000x128xf32>, vector<128x384xf32>, vector<2000x384xf32> -> vector<2000x384xf32>
    %get3A_38 = arith.constant 0 : index
    %get3A_39 = arith.constant 0 : index
    %get3A_40 = vector.load %arg9[%get3A_38, %get3A_39] : memref<1x384xf32, #tpu.memory_space<vmem>>, vector<1x384xf32>
    %add3A_41 = vector.broadcast %get3A_40 : vector<1x384xf32> to vector<2000x384xf32>
    %add3A_42 = arith.addf %dot_general3A_37, %add3A_41 : vector<2000x384xf32>
    %slice3A = vector.extract_strided_slice %add3A_32 {offsets = [0, 0], sizes = [2000, 128], strides = [1, 1]} : vector<2000x384xf32> to vector<2000x128xf32>
    %slice3A_43 = vector.extract_strided_slice %add3A_32 {offsets = [0, 128], sizes = [2000, 128], strides = [1, 1]} : vector<2000x384xf32> to vector<2000x128xf32>
    %slice3A_44 = vector.extract_strided_slice %add3A_32 {offsets = [0, 256], sizes = [2000, 128], strides = [1, 1]} : vector<2000x384xf32> to vector<2000x128xf32>
    %slice3A_45 = vector.extract_strided_slice %add3A_42 {offsets = [0, 0], sizes = [2000, 128], strides = [1, 1]} : vector<2000x384xf32> to vector<2000x128xf32>
    %slice3A_46 = vector.extract_strided_slice %add3A_42 {offsets = [0, 128], sizes = [2000, 128], strides = [1, 1]} : vector<2000x384xf32> to vector<2000x128xf32>
    %slice3A_47 = vector.extract_strided_slice %add3A_42 {offsets = [0, 256], sizes = [2000, 128], strides = [1, 1]} : vector<2000x384xf32> to vector<2000x128xf32>
    %add3A_48 = arith.addf %slice3A, %slice3A_45 : vector<2000x128xf32>
    %logistic3A = arith.negf %add3A_48 : vector<2000x128xf32>
    %logistic3A_49 = math.exp %logistic3A : vector<2000x128xf32>
    %logistic3A_50 = arith.constant 1.000000e+00 : f32
    %logistic3A_51 = vector.broadcast %logistic3A_50 : f32 to vector<2000x128xf32>
    %logistic3A_52 = arith.addf %logistic3A_51, %logistic3A_49 : vector<2000x128xf32>
    %logistic3A_53 = arith.divf %logistic3A_51, %logistic3A_52 : vector<2000x128xf32>
    %add3A_54 = arith.addf %slice3A_43, %slice3A_46 : vector<2000x128xf32>
    %logistic3A_55 = arith.negf %add3A_54 : vector<2000x128xf32>
    %logistic3A_56 = math.exp %logistic3A_55 : vector<2000x128xf32>
    %logistic3A_57 = arith.constant 1.000000e+00 : f32
    %logistic3A_58 = vector.broadcast %logistic3A_57 : f32 to vector<2000x128xf32>
    %logistic3A_59 = arith.addf %logistic3A_58, %logistic3A_56 : vector<2000x128xf32>
    %logistic3A_60 = arith.divf %logistic3A_58, %logistic3A_59 : vector<2000x128xf32>
    %mul3A = arith.mulf %logistic3A_53, %slice3A_47 : vector<2000x128xf32>
    %add3A_61 = arith.addf %slice3A_44, %mul3A : vector<2000x128xf32>
    %tanh3A = math.tanh %add3A_61 : vector<2000x128xf32>
    %sub3A = arith.constant 1.000000e+00 : f32
    %sub3A_62 = vector.broadcast %sub3A : f32 to vector<2000x128xf32>
    %sub3A_63 = arith.subf %sub3A_62, %logistic3A_60 : vector<2000x128xf32>
    %mul3A_64 = arith.mulf %sub3A_63, %tanh3A : vector<2000x128xf32>
    %mul3A_65 = arith.mulf %logistic3A_60, %get3A_23 : vector<2000x128xf32>
    %add3A_66 = arith.addf %mul3A_64, %mul3A_65 : vector<2000x128xf32>
    %max3A_67 = arith.constant 0.000000e+00 : f32
    %max3A_68 = vector.broadcast %max3A_67 : f32 to vector<2000x128xf32>
    %max3A_69 = arith.maximumf %add3A_66, %max3A_68 : vector<2000x128xf32>
    %get3A_70 = arith.constant 0 : index
    %get3A_71 = arith.constant 0 : index
    %get3A_72 = arith.constant 0 : index
    %get3A_73 = vector.load %arg10[%get3A_70, %get3A_71, %get3A_72] : memref<1x1x2000xi32, #tpu.memory_space<vmem>>, vector<1x1x2000xi32>
    %get3A_74 = vector.shape_cast %get3A_73 : vector<1x1x2000xi32> to vector<1x2000xi32>
    %broadcast_in_dim3A = vector.shape_cast %get3A_74 : vector<1x2000xi32> to vector<1x2000xi32>
    %broadcast_in_dim3A_75 = vector.broadcast %broadcast_in_dim3A : vector<1x2000xi32> to vector<64x2000xi32>
    %iota3A = tpu.iota {dimensions = array<i32: 0>} : vector<64x2000xi32>
    %eq3A_76 = arith.cmpi eq, %broadcast_in_dim3A_75, %iota3A : vector<64x2000xi32>
    %jit3A = arith.constant 1.000000e+00 : f32
    %jit3A_77 = arith.constant 0.000000e+00 : f32
    %broadcast_in_dim3A_78 = vector.broadcast %jit3A : f32 to vector<64x2000xf32>
    %broadcast_in_dim3A_79 = vector.broadcast %jit3A_77 : f32 to vector<64x2000xf32>
    %select_n3A = arith.select %eq3A_76, %broadcast_in_dim3A_78, %broadcast_in_dim3A_79 : vector<64x2000xi1>, vector<64x2000xf32>
    %get3A_80 = arith.constant 0 : index
    %get3A_81 = arith.constant 0 : index
    %get3A_82 = vector.load %arg14[%get3A_80, %get3A_81] : memref<64x128xf32, #tpu.memory_space<vmem>>, vector<64x128xf32>
    %dot_general3A_83 = arith.constant dense<0.000000e+00> : vector<64x128xf32>
    %dot_general3A_84 = tpu.matmul %select_n3A, %max3A_69, %dot_general3A_83 {dimension_numbers = #tpu.dot_dimension_numbers<[1], [0], [0], [1], [0, 0, 1, 1], [], []>, transpose_lhs_hint = false} : vector<64x2000xf32>, vector<2000x128xf32>, vector<64x128xf32> -> vector<64x128xf32>
    %add3A_85 = arith.addf %get3A_82, %dot_general3A_84 : vector<64x128xf32>
    %swap3A = arith.constant 0 : index
    %swap3A_86 = arith.constant 0 : index
    %swap3A_87 = vector.load %arg14[%swap3A, %swap3A_86] : memref<64x128xf32, #tpu.memory_space<vmem>>, vector<64x128xf32>
    tpu.vector_store %arg14[%swap3A, %swap3A_86], %add3A_85 {strides = array<i32>} : memref<64x128xf32, #tpu.memory_space<vmem>>, vector<64x128xf32>,
    %get3A_88 = arith.constant 0 : index
    %get3A_89 = arith.constant 0 : index
    %get3A_90 = vector.load %arg15[%get3A_88, %get3A_89] : memref<64x1xf32, #tpu.memory_space<vmem>>, vector<64x1xf32>
    %reduce_sum3A = arith.constant dense<0.000000e+00> : vector<64xf32>
    %reduce_sum3A_91 = vector.multi_reduction <add>, %select_n3A, %reduce_sum3A [1] : vector<64x2000xf32> to vector<64xf32>
    %broadcast_in_dim3A_92 = vector.shape_cast %reduce_sum3A_91 : vector<64xf32> to vector<64x1xf32>
    %add3A_93 = arith.addf %get3A_90, %broadcast_in_dim3A_92 : vector<64x1xf32>
    %swap3A_94 = arith.constant 0 : index
    %swap3A_95 = arith.constant 0 : index
    %swap3A_96 = vector.load %arg15[%swap3A_94, %swap3A_95] : memref<64x1xf32, #tpu.memory_space<vmem>>, vector<64x1xf32>
    tpu.vector_store %arg15[%swap3A_94, %swap3A_95], %add3A_93 {strides = array<i32>} : memref<64x1xf32, #tpu.memory_space<vmem>>, vector<64x1xf32>,
    %eq3A_97 = arith.constant 4 : i32
    %eq3A_98 = arith.cmpi eq, %arg0, %eq3A_97 : i32
    %convert_element_type3A_99 = arith.extui %eq3A_98 : i1 to i32
    %cond3A_100 = arith.constant 0 : i32
    %cond3A_101 = arith.cmpi ne, %convert_element_type3A_99, %cond3A_100 : i32
    scf.if %cond3A_101 {
      %get3A_102 = arith.constant 0 : index
      %get3A_103 = arith.constant 0 : index
      %get3A_104 = vector.load %arg14[%get3A_102, %get3A_103] : memref<64x128xf32, #tpu.memory_space<vmem>>, vector<64x128xf32>
      %get3A_105 = arith.constant 0 : index
      %get3A_106 = arith.constant 0 : index
      %get3A_107 = vector.load %arg15[%get3A_105, %get3A_106] : memref<64x1xf32, #tpu.memory_space<vmem>>, vector<64x1xf32>
      %max3A_108 = arith.constant 1.000000e+00 : f32
      %max3A_109 = vector.broadcast %max3A_108 : f32 to vector<64x1xf32>
      %max3A_110 = arith.maximumf %get3A_107, %max3A_109 : vector<64x1xf32>
      %div3A_111 = vector.broadcast %max3A_110 : vector<64x1xf32> to vector<64x128xf32>
      %div3A_112 = arith.divf %get3A_104, %div3A_111 : vector<64x128xf32>
      %get3A_113 = arith.constant 0 : index
      %get3A_114 = arith.constant 0 : index
      %get3A_115 = vector.load %arg11[%get3A_113, %get3A_114] : memref<128x128xf32, #tpu.memory_space<vmem>>, vector<128x128xf32>
      %dot_general3A_116 = arith.constant dense<0.000000e+00> : vector<64x128xf32>
      %dot_general3A_117 = tpu.matmul %div3A_112, %get3A_115, %dot_general3A_116 {dimension_numbers = #tpu.dot_dimension_numbers<[1], [0], [0], [1], [0, 0, 1, 1], [], []>, transpose_lhs_hint = false} : vector<64x128xf32>, vector<128x128xf32>, vector<64x128xf32> -> vector<64x128xf32>
      %get3A_118 = arith.constant 0 : index
      %get3A_119 = arith.constant 0 : index
      %get3A_120 = vector.load %arg12[%get3A_118, %get3A_119] : memref<1x128xf32, #tpu.memory_space<vmem>>, vector<1x128xf32>
      %add3A_121 = vector.broadcast %get3A_120 : vector<1x128xf32> to vector<64x128xf32>
      %add3A_122 = arith.addf %dot_general3A_117, %add3A_121 : vector<64x128xf32>
      %iota3A_123 = tpu.iota {dimensions = array<i32: 1>} : vector<64x128xi32>
      %lt3A = arith.constant 6 : i32
      %lt3A_124 = vector.broadcast %lt3A : i32 to vector<64x128xi32>
      %lt3A_125 = arith.cmpi slt, %iota3A_123, %lt3A_124 : vector<64x128xi32>
      %jit3A_126 = arith.constant -1.000000e+30 : f32
      %broadcast_in_dim3A_127 = vector.broadcast %jit3A_126 : f32 to vector<64x128xf32>
      %select_n3A_128 = arith.select %lt3A_125, %add3A_122, %broadcast_in_dim3A_127 : vector<64x128xi1>, vector<64x128xf32>
      %reduce_max3A = arith.constant dense<0xFF800000> : vector<64xf32>
      %reduce_max3A_129 = vector.multi_reduction <maximumf>, %select_n3A_128, %reduce_max3A [1] : vector<64x128xf32> to vector<64xf32>
      %broadcast_in_dim3A_130 = vector.shape_cast %reduce_max3A_129 : vector<64xf32> to vector<64x1xf32>
      %sub3A_131 = vector.broadcast %broadcast_in_dim3A_130 : vector<64x1xf32> to vector<64x128xf32>
      %sub3A_132 = arith.subf %select_n3A_128, %sub3A_131 : vector<64x128xf32>
      %exp3A = math.exp %sub3A_132 : vector<64x128xf32>
      %jit3A_133 = arith.constant 0.000000e+00 : f32
      %broadcast_in_dim3A_134 = vector.broadcast %jit3A_133 : f32 to vector<64x128xf32>
      %select_n3A_135 = arith.select %lt3A_125, %exp3A, %broadcast_in_dim3A_134 : vector<64x128xi1>, vector<64x128xf32>
      %reduce_sum3A_136 = arith.constant dense<0.000000e+00> : vector<64xf32>
      %reduce_sum3A_137 = vector.multi_reduction <add>, %select_n3A_135, %reduce_sum3A_136 [1] : vector<64x128xf32> to vector<64xf32>
      %broadcast_in_dim3A_138 = vector.shape_cast %reduce_sum3A_137 : vector<64xf32> to vector<64x1xf32>
      %log3A = math.log %broadcast_in_dim3A_138 : vector<64x1xf32>
      %sub3A_139 = vector.broadcast %broadcast_in_dim3A_130 : vector<64x1xf32> to vector<64x128xf32>
      %sub3A_140 = arith.subf %add3A_122, %sub3A_139 : vector<64x128xf32>
      %sub3A_141 = vector.broadcast %log3A : vector<64x1xf32> to vector<64x128xf32>
      %sub3A_142 = arith.subf %sub3A_140, %sub3A_141 : vector<64x128xf32>
      %swap3A_143 = arith.constant 0 : index
      %swap3A_144 = arith.constant 0 : index
      %swap3A_145 = vector.load %arg13[%swap3A_143, %swap3A_144] : memref<64x128xf32, #tpu.memory_space<vmem>>, vector<64x128xf32>
      tpu.vector_store %arg13[%swap3A_143, %swap3A_144], %sub3A_142 {strides = array<i32>} : memref<64x128xf32, #tpu.memory_space<vmem>>, vector<64x128xf32>,
    } else {
    }
    return
  }
  func.func @transform_0(%arg0: i32) -> (i32, i32, i32) {
    %c0_i32 = arith.constant 0 : i32
    %c0_i32_0 = arith.constant 0 : i32
    %c0_i32_1 = arith.constant 0 : i32
    return %c0_i32, %arg0, %c0_i32_0 : i32, i32, i32
  }
  func.func @transform_1(%arg0: i32) -> (i32, i32, i32) {
    %c1_i32 = arith.constant 1 : i32
    %c0_i32 = arith.constant 0 : i32
    %c0_i32_0 = arith.constant 0 : i32
    return %c1_i32, %arg0, %c0_i32 : i32, i32, i32
  }
  func.func @transform_2(%arg0: i32) -> (i32, i32) {
    %c0_i32 = arith.constant 0 : i32
    %c0_i32_0 = arith.constant 0 : i32
    return %arg0, %c0_i32 : i32, i32
  }
  func.func @transform_3(%arg0: i32) -> (i32, i32) {
    %c0_i32 = arith.constant 0 : i32
    %c0_i32_0 = arith.constant 0 : i32
    return %arg0, %c0_i32 : i32, i32
  }
  func.func @transform_4(%arg0: i32) -> (i32, i32) {
    %c0_i32 = arith.constant 0 : i32
    %c0_i32_0 = arith.constant 0 : i32
    return %arg0, %c0_i32 : i32, i32
  }
  func.func @transform_5(%arg0: i32) -> (i32, i32) {
    %c0_i32 = arith.constant 0 : i32
    %c0_i32_0 = arith.constant 0 : i32
    %c0_i32_1 = arith.constant 0 : i32
    return %c0_i32, %c0_i32_0 : i32, i32
  }
  func.func @transform_6(%arg0: i32) -> (i32, i32) {
    %c0_i32 = arith.constant 0 : i32
    %c0_i32_0 = arith.constant 0 : i32
    %c0_i32_1 = arith.constant 0 : i32
    return %c0_i32, %c0_i32_0 : i32, i32
  }
  func.func @transform_7(%arg0: i32) -> (i32, i32) {
    %c0_i32 = arith.constant 0 : i32
    %c0_i32_0 = arith.constant 0 : i32
    %c0_i32_1 = arith.constant 0 : i32
    return %c0_i32, %c0_i32_0 : i32, i32
  }
  func.func @transform_8(%arg0: i32) -> (i32, i32) {
    %c0_i32 = arith.constant 0 : i32
    %c0_i32_0 = arith.constant 0 : i32
    %c0_i32_1 = arith.constant 0 : i32
    return %c0_i32, %c0_i32_0 : i32, i32
  }
  func.func @transform_9(%arg0: i32) -> (i32, i32, i32) {
    %c0_i32 = arith.constant 0 : i32
    %c0_i32_0 = arith.constant 0 : i32
    %c0_i32_1 = arith.constant 0 : i32
    return %arg0, %c0_i32, %c0_i32_0 : i32, i32, i32
  }
  func.func @transform_10(%arg0: i32) -> (i32, i32) {
    %c0_i32 = arith.constant 0 : i32
    %c0_i32_0 = arith.constant 0 : i32
    %c0_i32_1 = arith.constant 0 : i32
    return %c0_i32, %c0_i32_0 : i32, i32
  }
  func.func @transform_11(%arg0: i32) -> (i32, i32) {
    %c0_i32 = arith.constant 0 : i32
    %c0_i32_0 = arith.constant 0 : i32
    %c0_i32_1 = arith.constant 0 : i32
    return %c0_i32, %c0_i32_0 : i32, i32
  }
  func.func @transform_12(%arg0: i32) -> (i32, i32) {
    %c0_i32 = arith.constant 0 : i32
    %c0_i32_0 = arith.constant 0 : i32
    %c0_i32_1 = arith.constant 0 : i32
    return %c0_i32, %c0_i32_0 : i32, i32
  }
}

</mosaic_0001>

<sc_bundles>
// kernel: kernel.10.cloned.1.call-start
scs
__scs_entry_jumppad:
0x0: {  	(pc) =	sbr.rel $0x88, $3  }
0x1: {  	(tag) =	ssettag $0x0;
	lr =	simm.s32 $0x1  }
0x2: {  	[smem:$0x3F97] =	sst lr;
	_ =	strace $0xD0000000  }
0x3: {  	_ = 	snop  }
0x4: {  	_ = 	snop  }
0x5: {  	_ = 	snop  }
0x6: {  	_ = 	snop  }
0x7: {  	_ = 	snop  }
__scs_overlays_trampoline_lowered:
0x8: {  	[smem:$0x3FA6] =	sst s0  }
0x9: {  	[smem:$0x3FA7] =	sst s1  }
0xa: {  	[smem:$0x3FA8] =	sst s2  }
0xb: {  	[smem:$0x3FA9] =	sst s3  }
0xc: {  	[smem:$0x3FAA] =	sst s4  }
0xd: {  	[smem:$0x3FAB] =	sst s5  }
0xe: {  	[smem:$0x3FAC] =	sst s6  }
0xf: {  	[smem:$0x3FAD] =	sst s7  }
0x10: {  	[smem:$0x3FAE] =	sst s8  }
0x11: {  	[smem:$0x3FAF] =	sst s9;
	s0 =	simm.s32 @!p0 $0x0  }
0x12: {  	s1 =	sld [smem:$0x3F95];
	s0 =	simm.s32 @p0 $0x1  }
0x13: {  	[smem:$0x3FB0] =	sst s0;
	s0 =	simm.s32 @!p1 $0x0  }
0x14: {  	s2 =	sld [smem:$0x3F94];
	s0 =	simm.s32 @p1 $0x1  }
0x15: {  	[smem:$0x3FB1] =	sst s0;
	s0 =	simm.s32 @!p2 $0x0  }
0x16: {  	s3 =	sld [smem:$0x3FDB];
	s0 =	simm.s32 @p2 $0x1  }
0x17: {  	s4 =	simm.s32 $0x1BF5;
	[smem:$0x3FB3] =	sst s0  }
0x18: {  	s0 =	sld [smem:$0x3F96];
	_ =	swait.ge [sflag:s4], $0x0  }
0x19: {  	s7 =	sld [smem:$0x3F97]  }
0x1a: {  	s8 =	sadd.s32 $0xFFFFE003, lr  }
0x1b: {  	s9 =	sadd.s32 $0xFFFFFEF7, lr;
	s5 =	simm.s32 $0xFFFFFFFF;
	p2 =	slt.u32 s8, $0xFFFFF086  }
0x1c: {  	p1 =	slt.u32 s9, $0xF7A;
	s5 =	simm.s32 @!p2 $0x0  }
0x1d: {  	s5 =	simm.s32 @p1 $0x1;
	p0 =	seq.s32 s7, s2  }
0x1e: {  	s7 =	smul.u32 @!p0 $0xF7A, s2;
	p2 =	seq.s32 @!p0 s5, $0x0  }
0x1f: {  	s9 =	smul.u32 $0xF7A, s1;
	s8 =	simm.s32 @!p0 $0x1BF5;
	p2 =	por !p2, p0  }
0x20: {  	[sflag:s8] =	ssyncset.s32 @!p0 $0xFFFFF086;
	s6 =	sadd.s32 @!p0 s3, s7;
	s7 =	simm.s32 @!p0 $0x108  }
0x21: {  	s3 =	sadd.s32 s3, s9;
	s6 =	sadd.s32 @!p0 $0x88, s6;
	s7 =	simm.s32 @p2 $0x1082  }
0x22: {  	[simem:s7], [sflag:s8] =	dma.local @!p0 [hbm:s6], $0xF7A  }
0x23: {  	s9 =	sor.u32 $0xD0000000, s2;
	s6 =	simm.s32 $0x108;
	_ =	swait.ge @!p0 [sflag:s8], $0x0  }
0x24: {  	s3 =	sadd.s32 $0x88, s3;
	s6 =	simm.s32 @!p1 $0x1082;
	[sflag:s4] =	ssyncset.s32 $0xFFFFF086  }
0x25: {  	[simem:s6], [sflag:s4] =	dma.local [hbm:s3], $0xF7A  }
0x26: {  	[smem:$0x3F97] =	sst s1;
	(tag) =	ssettag s2;
	_ =	strace s9  }
0x27: {  	s1 =	sld [smem:$0x3FA7]  }
0x28: {  	s2 =	sld [smem:$0x3FA8]  }
0x29: {  	s4 =	sld [smem:$0x3FAA]  }
0x2a: {  	p0 =	seq.s32 s5, $0x0;
	s5 =	sld [smem:$0x3FAB]  }
0x2b: {  	s6 =	sld [smem:$0x3FAC]  }
0x2c: {  	s7 =	sld [smem:$0x3FAD]  }
0x2d: {  	s3 =	simm.s32 $0x108;
	s8 =	sld [smem:$0x3FAE]  }
0x2e: {  	s3 =	simm.s32 @!p0 $0x1082;
	s9 =	sld [smem:$0x3FAF]  }
0x2f: {  	lr =	sadd.s32 s0, s3;
	s0 =	sld [smem:$0x3FA6]  }
0x30: {  	s3 =	sld [smem:$0x3FA9]  }
0x31: {  	[smem:$0x3FB2] =	sst s10  }
0x32: {  	s10 =	sld [smem:$0x3FB0];
	_ =	sdelay $0x3  }
0x33: {  	p0 =	seq.s32 s10, $0x1;
	s10 =	sld [smem:$0x3FB2];
	_ =	sdelay $0x3  }
0x34: {  	[smem:$0x3FB2] =	sst s10  }
0x35: {  	s10 =	sld [smem:$0x3FB1];
	_ =	sdelay $0x3  }
0x36: {  	p1 =	seq.s32 s10, $0x1;
	s10 =	sld [smem:$0x3FB2];
	_ =	sdelay $0x3  }
0x37: {  	[smem:$0x3FB2] =	sst s10  }
0x38: {  	s10 =	sld [smem:$0x3FB3]  }
0x39: {  	_ = 	snop;
	(pc) =	sbr.ind lr, $3  }
0x3a: {  	_ = 	snop  }
0x3b: {  	_ = 	snop  }
0x3c: {  	p2 =	seq.s32 s10, $0x1;
	s10 =	sld [smem:$0x3FB2]  }
0x3d: {  	_ =	shalt  }
0x3e: {  	_ =	shalt  }
0x3f: {  	_ =	shalt  }
0x40: {  	_ =	shalt  }
0x41: {  	_ =	shalt  }
0x42: {  	_ =	shalt  }
0x43: {  	_ =	shalt  }
0x44: {  	_ =	shalt  }
0x45: {  	_ =	shalt  }
0x46: {  	_ =	shalt  }
0x47: {  	_ =	shalt  }
0x48: {  	_ =	shalt  }
0x49: {  	_ =	shalt  }
0x4a: {  	_ =	shalt  }
0x4b: {  	_ =	shalt  }
0x4c: {  	_ =	shalt  }
0x4d: {  	_ =	shalt  }
0x4e: {  	_ =	shalt  }
0x4f: {  	_ =	shalt  }
0x50: {  	_ =	shalt  }
0x51: {  	_ =	shalt  }
0x52: {  	_ =	shalt  }
0x53: {  	_ =	shalt  }
0x54: {  	_ =	shalt  }
0x55: {  	_ =	shalt  }
0x56: {  	_ =	shalt  }
0x57: {  	_ =	shalt  }
0x58: {  	_ =	shalt  }
0x59: {  	_ =	shalt  }
0x5a: {  	_ =	shalt  }
0x5b: {  	_ =	shalt  }
0x5c: {  	_ =	shalt  }
0x5d: {  	_ =	shalt  }
0x5e: {  	_ =	shalt  }
0x5f: {  	_ =	shalt  }
0x60: {  	_ =	shalt  }
0x61: {  	_ =	shalt  }
0x62: {  	_ =	shalt  }
0x63: {  	_ =	shalt  }
0x64: {  	_ =	shalt  }
0x65: {  	_ =	shalt  }
0x66: {  	_ =	shalt  }
0x67: {  	_ =	shalt  }
0x68: {  	_ =	shalt  }
0x69: {  	_ =	shalt  }
0x6a: {  	_ =	shalt  }
0x6b: {  	_ =	shalt  }
0x6c: {  	_ =	shalt  }
0x6d: {  	_ =	shalt  }
0x6e: {  	_ =	shalt  }
0x6f: {  	_ =	shalt  }
0x70: {  	_ =	shalt  }
0x71: {  	_ =	shalt  }
0x72: {  	_ =	shalt  }
0x73: {  	_ =	shalt  }
0x74: {  	_ =	shalt  }
0x75: {  	_ =	shalt  }
0x76: {  	_ =	shalt  }
0x77: {  	_ =	shalt  }
0x78: {  	_ =	shalt  }
0x79: {  	_ =	shalt  }
0x7a: {  	_ =	shalt  }
0x7b: {  	_ =	shalt  }
0x7c: {  	_ =	shalt  }
0x7d: {  	_ =	shalt  }
0x7e: {  	_ =	shalt  }
0x7f: {  	_ =	shalt  }
0x80: {  	_ =	shalt  }
0x81: {  	_ =	shalt  }
0x82: {  	_ =	shalt  }
0x83: {  	_ =	shalt  }
0x84: {  	_ =	shalt  }
0x85: {  	_ =	shalt  }
0x86: {  	_ =	shalt  }
0x87: {  	_ =	shalt  }
.Lfunc_end0:
.L_simem_size_0:
called_computation.1_lowered:
.L_overlay_start_0:
0x88: {  	s2 =	sld [smem:$0x3FD9]  }
0x89: {  	s3 =	sld [smem:$0x3FFE];
	_ =	sdelay $0x1  }
0x8a: {  	s1 =	srdreg.scid  }
0x8b: {  	s0 =	sand.u32 $0x1, s1  }
0x8c: {  	s16 =	sshll.u32 s0, $0xA;
	s2 =	sadd.s32 s3, s2  }
0x8d: {  	s2 =	sadd.s32 s2, s16  }
0x8e: {  	[smem:$0x3FBE] =	sst s2  }
0x8f: {  	_ = 	snop  }
0x90: {  	(tm) =	ssettm $0x1  }
0x91: {  	s17 =	sld [smem:$0x3FFB];
	_ =	sdelay $0x3  }
0x92: {  	_ =	strace s17  }
0x93: {  	s2 =	sld [smem:$0x3FFC];
	_ =	sdelay $0x3  }
0x94: {  	_ =	strace s2  }
0x95: {  	s2 =	sld [smem:$0x3FFD];
	_ =	sdelay $0x3  }
0x96: {  	_ =	strace s2  }
0x97: {  	_ =	strace $0x8FFFFFFF  }
0x98: {  	s18 =	sld [smem:$0x3FDB];
	_ =	sdelay $0x1  }
0x99: {  	s19 =	simm.s32 $_scs_section_size  }
0x9a: {  	s4 =	simm.s32 $_size__tile_overlayer_lowered;
	s5 =	simm.s32 $_tile_overlayer_lowered  }
0x9b: {  	s22 =	simm.s32 $0x1BFF;
	s21 =	sshll.u32 s5, $0x1;
	s2 =	sadd.s32 s19, s18  }
0x9c: {  	s6 =	simm.s32 $0x0;
	s20 =	sshll.u32 s4, $0x1;
	s4 =	sadd.s32 s21, s2  }
0x9d: {  	[timem:s6], [sflag:s22] =	dma.local [hbm:s4], s20  }
0x9e: {  	_ =	swait.ge [sflag:s22], s20  }
0x9f: {  	s3 =	ssub.s32 $0x0, s20;
	[sflag:s22] =	ssyncset.done $0x0  }
0xa0: {  	[sflag:s22] =	ssyncadd.s32 s3;
	_ =	sdelay $0x1  }
0xa1: {  	s23 =	simm.s32 $0x1B8B  }
0xa2: {  	_ =	swait.ge [sflag:s23], $0x1  }
0xa3: {  	[sflag:s23] =	ssyncset.done $0x0  }
0xa4: {  	s25 =	simm.s32 $0x1B8E;
	s24 =	sld [smem:$0x3FFE];
	[sflag:s23] =	ssyncadd.s32 $0xFFFFFFFF  }
0xa5: {  	s26 =	simm.s32 $execute0_lowered;
	[smem:$0x3FD2] =	sst s25  }
0xa6: {  	s4 =	sshll.u32 s26, $0x1;
	_ =	strace $0x80000049;
	[dreg:$0x1] =	wrdreg $0xFFFFFFFF  }
0xa7: {  	s28 =	simm.s32 $_size_execute0_lowered;
	s2 =	sadd.s32 s2, s4;
	[dreg:$0x0] =	wrdreg $0x0  }
0xa8: {  	s4 =	sshll.u32 s28, $0x1;
	[dreg:$0x2] =	wrdreg s2  }
0xa9: {  	[dreg:$0x3] =	wrdreg s4  }
0xaa: {  	[dreg:$0x4] =	wrdreg $0xC0  }
0xab: {  	_ =	task [dreg:s6], $0x5FFFF  }
0xac: {  	[dreg:$0x1] =	wrdreg $0xFFFFFFFF  }
0xad: {  	[dreg:$0x0] =	wrdreg $0x60  }
0xae: {  	[dreg:$0x2] =	wrdreg s24  }
0xaf: {  	[dreg:$0x3] =	wrdreg $0xA8000  }
0xb0: {  	[dreg:$0x4] =	wrdreg $0x9  }
0xb1: {  	_ =	task.clear_ibuf [dreg:s6], $0x5FFFF;
	_ =	strace $0x90000049  }
0xb2: {  	s29 =	simm.s32 $0x9;
	_ =	strace $0x8000004B  }
0xb3: {  	_ =	swait.ge [sflag:s29], $0x1  }
0xb4: {  	[sflag:s29] =	ssyncadd.s32 $0xFFFFFFFF  }
0xb5: {  	_ =	strace $0x9000004B  }
0xb6: {  	_ =	sfence  }
0xb7: {  	s30 =	sld [smem:$0x0];
	_ =	sdelay $0x2  }
0xb8: {  	s31 =	sshll.u32 s1, $0xD;
	s1 =	sshrl.u32 s1, $0x2  }
0xb9: {  	s3 =	sand.u32 $0x4000, s31;
	s1 =	sadd.s32 s1, s30  }
0xba: {  	s0 =	sor.u32 s3, s0;
	s1 =	sshll.u32 s1, $0x11  }
0xbb: {  	s0 =	sor.u32 s1, s0  }
0xbc: {  	s0 =	sadd.s32 $0x8F2B, s0  }
0xbd: {  	[sflag:s0] =	ssyncadd.remote.s32 $0x1  }
0xbe: {  	_ =	sfence.sel $0xFFFF  }
0xbf: {  	[dreg:$0x0] =	wrdreg $0xFFFFFFFF;
	(pc) =	sbr.abs _section_cstart, $3  }
0xc0: {  	[dreg:$0x1] =	wrdreg $0xFFFFFFFF  }
0xc1: {  	_ =	task.clear_ibuf [dreg:s6], $0x2FFFF;
	_ =	strace $0x9FFFFFFF  }
0xc2: {  	(tm) =	ssettm $0x7FFFFFFF  }
0xc3: {  	_ =	shalt  }
tec
execute0_lowered:
.L_overlay_start_1:
0x0: {  	(tag) =	ssettag $0x1  }
0x1: {  	s7 =	rddreg [dreg:$0x0]  }
0x2: {  	s2 =	rddreg [dreg:$0x1];
	s1 =	stileid.u32  }
0x3: {  	s4 =	srdreg.scid;
	s3 =	simm.s32 $0x0;
	s16 =	simm.s32 $0x1  }
0x4: {  	s17 =	simm.s32 $0x2;
	s18 =	simm.s32 $0x80;
	s19 =	simm.s32 $0x2800  }
0x5: {  	s20 =	simm.s32 $0x6800;
	s21 =	simm.s32 $0x100;
	s22 =	simm.s32 $0x1480  }
0x6: {  	s23 =	simm.s32 $0x4;
	s28 =	simm.s32 $0x5;
	s29 =	simm.s32 $0x0  }
0x7: {  	s8 =	smul.u32 $0x14000, s1;
	s9 =	sand.u32 $0x1, s4;
	[smem:$0x7FF] =	sst s3  }
0x8: {  	s4 =	sadd.s32 $0x66800, s7;
	s5 =	sadd.s32 $0x2A200, s7;
	s12 =	smul.u32 $0x50000, s1  }
0x9: {  	s6 =	sadd.s32 $0x34200, s7;
	s26 =	sshll.u32 s1, $0x1;
	s10 =	smul.u32 $0x140000, s9  }
0xa: {  	_ =	strace $0x8000004A;
	s24 =	ssub.s32 $0x2, s9;
	s31 =	sor.u32 s9, s26  }
0xb: {  	s26 =	simm.s32 $0x2780;
	s11 =	sshrl.u32 s8, $0x3;
	s25 =	sshrl.u32 s24, $0x1  }
0xc: {  	s30 =	sshrl.u32 s12, $0x2;
	s8 =	sadd.s32 s8, s10;
	s11 =	sadd.s32 s11, s7  }
0xd: {  	s14 =	ssub.s32 s24, s25;
	s15 =	sadd.s32 s30, s2;
	s10 =	smul.u32 $0x2800, s31  }
0xe: {  	s24 =	simm.s32 $0x1380;
	s25 =	simm.s32 $0x2700;
	s8 =	sshrl.u32 s8, $0x3  }
0xf: {  	s12 =	smax.u32 s14, $0x1;
	s13 =	sadd.s32 s8, s7;
	s7 =	sshll.u32 s1, $0x6  }
0x10: {  	s14 =	simm.s32 $0x3;
	s8 =	sadd.s32 $0x3E200, s11;
	s9 =	sor.u32 $0x1C03, s7  }
0x11: {  	s11 =	sadd.s32 $0x8E800, s13;
	s13 =	sshrl.u32 s15, $0x3;
	s15 =	simm.s32 $0x1400  }
.LBB2_1:
0x12: {  	[spmem:s13], [sflag:s9] =	dma.local [hbm:s8], $0x2800  }
0x13: {  	_ =	swait.ge [sflag:s14], $0x2800  }
0x14: {  	[sflag:s14] =	ssyncset.done $0x0  }
0x15: {  	[sflag:s14] =	ssyncadd.s32 $0xFFFFD800  }
0x16: {  	p1 =	por $0x1, $0x1;
	s30 =	simm.s32 $0x0;
	[bflag:$0x0] =	sbarrier.arrive $0xFFFF  }
.LBB2_2:
0x17: {  	s30 =	sadd.s32 s10, s30  }
0x18: {  	s30 =	sshrl.u32 s30, $0x3  }
0x19: {  	s31 =	sadd.s32 s5, s30  }
0x1a: {  	[tilespmem:s3], [sflag:$0x1] =	stream.linear.gather [hbm4b:s31+s3], $0x1400, $0x38;
	[tilespmem:$0x1E800] =	vst v63  }
0x1b: {  	s30 =	sadd.s32 s6, s30  }
0x1c: {  	[tilespmem:s15], [sflag:$0x2] =	stream.linear.gather [hbm4b:s30+s3], $0x1400, $0x38;
	[tilespmem:$0x1E800] =	vst v63  }
0x1d: {  	_ =	swait.ge [sflag:s16], $0x1400  }
0x1e: {  	[sflag:s16] =	ssyncset.done $0x0  }
0x1f: {  	[sflag:s16] =	ssyncadd.s32 $0xFFFFEC00  }
0x20: {  	_ =	swait.ge [sflag:s17], $0x1400  }
0x21: {  	[sflag:s17] =	ssyncset.done $0x0  }
0x22: {  	[sflag:s17] =	ssyncadd.s32 $0xFFFFEC00  }
0x23: {  	[tilespmem:s19], [sflag:$0x1] =	stream.indirect.gather [hbm4b:s4+s18], $0x80, s3, s18, $0xb8;
	[tilespmem:$0x1E800] =	vst v63  }
0x24: {  	_ = 	snop  }
0x25: {  	[tilespmem:s20], [sflag:$0x2] =	stream.indirect.gather [hbm4b:s4+s18], $0x80, s18, s18, $0xb8;
	[tilespmem:$0x1E800] =	vst v63  }
0x26: {  	_ =	swait.ge [sflag:s16], $0x4000  }
0x27: {  	[sflag:s16] =	ssyncset.done $0x0  }
0x28: {  	[sflag:s16] =	ssyncadd.s32 $0xFFFFC000  }
0x29: {  	[spmem:s2] =	stream.indirect.scatter.add.f32 [tilespmem:s19], [sflag:$0x3], $0x80, s15, s18, $0xb8;
	[tilespmem:$0x1E800] =	vst v63  }
0x2a: {  	_ =	swait.ge [sflag:s14], $0x4000  }
0x2b: {  	[sflag:s14] =	ssyncset.done $0x0  }
0x2c: {  	[sflag:s14] =	ssyncadd.s32 $0xFFFFC000  }
0x2d: {  	[tilespmem:s19], [sflag:$0x1] =	stream.indirect.gather [hbm4b:s4+s18], $0x80, s21, s18, $0xb8;
	[tilespmem:$0x1E800] =	vst v63  }
0x2e: {  	_ =	swait.ge [sflag:s17], $0x4000  }
0x2f: {  	[sflag:s17] =	ssyncset.done $0x0  }
0x30: {  	[sflag:s17] =	ssyncadd.s32 $0xFFFFC000  }
0x31: {  	[spmem:s2] =	stream.indirect.scatter.add.f32 [tilespmem:s20], [sflag:$0x4], $0x80, s22, s18, $0xb8;
	[tilespmem:$0x1E800] =	vst v63  }
0x32: {  	_ =	swait.ge [sflag:s23], $0x4000  }
0x33: {  	[sflag:s23] =	ssyncset.done $0x0  }
0x34: {  	s30 =	simm.s32 $0x180;
	[sflag:s23] =	ssyncadd.s32 $0xFFFFC000  }
0x35: {  	[tilespmem:s20], [sflag:$0x2] =	stream.indirect.gather [hbm4b:s4+s18], $0x80, s30, s18, $0xb8;
	[tilespmem:$0x1E800] =	vst v63  }
0x36: {  	_ =	swait.ge [sflag:s16], $0x4000  }
0x37: {  	[sflag:s16] =	ssyncset.done $0x0  }
0x38: {  	s30 =	simm.s32 $0x1500;
	[sflag:s16] =	ssyncadd.s32 $0xFFFFC000  }
0x39: {  	[spmem:s2] =	stream.indirect.scatter.add.f32 [tilespmem:s19], [sflag:$0x3], $0x80, s30, s18, $0xb8;
	[tilespmem:$0x1E800] =	vst v63  }
0x3a: {  	_ =	swait.ge [sflag:s14], $0x4000  }
0x3b: {  	[sflag:s14] =	ssyncset.done $0x0  }
0x3c: {  	s30 =	simm.s32 $0x200;
	[sflag:s14] =	ssyncadd.s32 $0xFFFFC000  }
0x3d: {  	[tilespmem:s19], [sflag:$0x1] =	stream.indirect.gather [hbm4b:s4+s18], $0x80, s30, s18, $0xb8;
	[tilespmem:$0x1E800] =	vst v63  }
0x3e: {  	_ =	swait.ge [sflag:s17], $0x4000  }
0x3f: {  	p0 =	por p1, p1;
	[sflag:s17] =	ssyncset.done $0x0  }
0x40: {  	s31 =	simm.s32 $0x1580;
	s30 =	simm.s32 $0xFFFFBC00;
	[sflag:s17] =	ssyncadd.s32 $0xFFFFC000  }
.LBB2_3:
0x41: {  	[spmem:s2] =	stream.indirect.scatter.add.f32 [tilespmem:s20], [sflag:$0x4], $0x80, s31, s18, $0xb8;
	[tilespmem:$0x1E800] =	vst v63  }
0x42: {  	s31 =	smov.u32 s30  }
0x43: {  	p1 =	sne.s32 s30, $0xFFFFFC00;
	s30 =	sadd.s32 $0x400, s30;
	_ =	swait.ge [sflag:s23], $0x4000  }
0x44: {  	s31 =	sshra.s32 s31, $0x2;
	[sflag:s23] =	ssyncset.done $0x0  }
0x45: {  	s0 =	sadd.s32 $0x1380, s31;
	[sflag:s23] =	ssyncadd.s32 $0xFFFFC000  }
0x46: {  	[tilespmem:s20], [sflag:$0x2] =	stream.indirect.gather [hbm4b:s4+s18], $0x80, s0, s18, $0xb8;
	[tilespmem:$0x1E800] =	vst v63  }
0x47: {  	_ =	swait.ge [sflag:s16], $0x4000  }
0x48: {  	[sflag:s16] =	ssyncset.done $0x0  }
0x49: {  	s0 =	sadd.s32 $0x2700, s31;
	[sflag:s16] =	ssyncadd.s32 $0xFFFFC000  }
0x4a: {  	[spmem:s2] =	stream.indirect.scatter.add.f32 [tilespmem:s19], [sflag:$0x3], $0x80, s0, s18, $0xb8;
	[tilespmem:$0x1E800] =	vst v63  }
0x4b: {  	_ =	swait.ge [sflag:s14], $0x4000  }
0x4c: {  	[sflag:s14] =	ssyncset.done $0x0  }
.Ltmp0:
0x4d: {  	s0 =	sadd.s32 $0x1400, s31;
	[sflag:s14] =	ssyncadd.s32 $0xFFFFC000;
	(pc) =	sbr.rel @p1 .LBB2_3-.Ltmp0, $4  }
0x4e: {  	[tilespmem:s19], [sflag:$0x1] =	stream.indirect.gather [hbm4b:s4+s18], $0x80, s0, s18, $0xb8;
	[tilespmem:$0x1E800] =	vst v63  }
0x4f: {  	_ =	swait.ge [sflag:s17], $0x4000  }
0x50: {  	[sflag:s17] =	ssyncset.done $0x0  }
0x51: {  	s31 =	sadd.s32 $0x2780, s31;
	[sflag:s17] =	ssyncadd.s32 $0xFFFFC000  }
0x52: {  	[spmem:s2] =	stream.indirect.scatter.add.f32 [tilespmem:s20], [sflag:$0x4], $0x80, s31, s18, $0xb8;
	[tilespmem:$0x1E800] =	vst v63  }
0x53: {  	_ =	swait.ge [sflag:s23], $0x4000  }
0x54: {  	[sflag:s23] =	ssyncset.done $0x0  }
0x55: {  	[sflag:s23] =	ssyncadd.s32 $0xFFFFC000  }
0x56: {  	[tilespmem:s20], [sflag:$0x2] =	stream.indirect.gather [hbm4b:s4+s18], $0x80, s24, s18, $0xb8;
	[tilespmem:$0x1E800] =	vst v63  }
0x57: {  	_ =	swait.ge [sflag:s16], $0x4000  }
0x58: {  	[sflag:s16] =	ssyncset.done $0x0  }
0x59: {  	[sflag:s16] =	ssyncadd.s32 $0xFFFFC000  }
0x5a: {  	[spmem:s2] =	stream.indirect.scatter.add.f32 [tilespmem:s19], [sflag:$0x3], $0x80, s25, s18, $0xb8;
	[tilespmem:$0x1E800] =	vst v63  }
0x5b: {  	_ =	swait.ge [sflag:s17], $0x4000  }
0x5c: {  	[sflag:s17] =	ssyncset.done $0x0  }
0x5d: {  	[sflag:s17] =	ssyncadd.s32 $0xFFFFC000  }
0x5e: {  	[spmem:s2] =	stream.indirect.scatter.add.f32 [tilespmem:s20], [sflag:$0x4], $0x80, s26, s18, $0xb8;
	[tilespmem:$0x1E800] =	vst v63  }
0x5f: {  	_ =	swait.ge [sflag:s14], $0x4000  }
.Ltmp1:
0x60: {  	[sflag:s14] =	ssyncset.done $0x0;
	(pc) =	sbr.rel @p0 .LBB2_2-.Ltmp1, $4  }
0x61: {  	[sflag:s14] =	ssyncadd.s32 $0xFFFFC000  }
0x62: {  	_ =	swait.ge [sflag:s23], $0x4000  }
0x63: {  	[sflag:s23] =	ssyncset.done $0x0  }
0x64: {  	s30 =	simm.s32 $0x1400;
	p1 =	por $0x0, $0x0;
	[sflag:s23] =	ssyncadd.s32 $0xFFFFC000  }
0x65: {  	s29 =	sadd.s32 $0x1, s29  }
0x66: {  	p0 =	sne.s32 s29, s12  }
.Ltmp2:
0x67: {  	[bflag:$0x0] =	sbarrier.arrive $0xFFFF;
	s0 =	sor.u32 $0x1C05, s7;
	(pc) =	sbr.rel @p0 .LBB2_1-.Ltmp2, $4  }
0x68: {  	[hbm:s11], [sflag:s0] =	dma.local [spmem:s13], $0x2800  }
0x69: {  	_ =	swait.ge [sflag:s28], $0x2800  }
0x6a: {  	[sflag:s28] =	ssyncset.done $0x0  }
0x6b: {  	[sflag:s28] =	ssyncadd.s32 $0xFFFFD800  }
0x6c: {  	_ =	sfence.sel $0x180000  }
0x6d: {  	[bflag:$0x0] =	sbarrier.arrive $0xFFFF  }
0x6e: {  	_ =	strace $0x9000004A  }
0x6f: {  	[bflag:$0x2] =	sbarrier.arrive $0xFFFF  }
0x70: {  	p0 =	sne.s32 s1, $0x0;
	s0 =	rddreg [dreg:$0x2]  }
0x71: {  	s0 =	sadd.s32 @!p0 $0x100000, s0  }
0x72: {  	[sflag:s0] =	ssyncadd.tile.s32 @!p0 $0x1;
	_ =	shalt  }
.Lfunc_end2:
_tile_overlayer_lowered:
.L_overlay_start_2:
0x73: {  	(tag) =	ssettag $0x2  }
0x74: {  	s0 =	rddreg [dreg:$0x0];
	s2 =	stileid.u32  }
0x75: {  	s1 =	rddreg [dreg:$0x1];
	p0 =	sne.s32 s2, $0x0  }
0x76: {  	s3 =	rddreg [dreg:$0x2];
	[bflag:$0x3] =	sbarrier.arrive $0xFFFF;
	s2 =	simm.s32 @!p0 $0x1C05  }
0x77: {  	[timem:s3], [sflag:s2] =	dma.local @!p0 [hbm:s0], s1  }
0x78: {  	s0 =	simm.s32 @!p0 $0x5  }
0x79: {  	_ =	swait.ge @!p0 [sflag:s0], s1  }
0x7a: {  	s1 =	ssub.s32 @!p0 $0x0, s1;
	[sflag:s0] =	ssyncset.done @!p0 $0x0  }
0x7b: {  	[sflag:s0] =	ssyncadd.s32 @!p0 s1  }
0x7c: {  	[bflag:$0x3] =	sbarrier.arrive $0xFFFF  }
0x7d: {  	_ =	shalt  }

// kernel: kernel.7.cloned.1.call-start
scs
__scs_entry_jumppad:
0x0: {  	(pc) =	sbr.rel $0x88, $3  }
0x1: {  	(tag) =	ssettag $0x0;
	lr =	simm.s32 $0x1  }
0x2: {  	[smem:$0x3F97] =	sst lr;
	_ =	strace $0xD0000000  }
0x3: {  	_ = 	snop  }
0x4: {  	_ = 	snop  }
0x5: {  	_ = 	snop  }
0x6: {  	_ = 	snop  }
0x7: {  	_ = 	snop  }
__scs_overlays_trampoline_lowered:
0x8: {  	[smem:$0x3FA6] =	sst s0  }
0x9: {  	[smem:$0x3FA7] =	sst s1  }
0xa: {  	[smem:$0x3FA8] =	sst s2  }
0xb: {  	[smem:$0x3FA9] =	sst s3  }
0xc: {  	[smem:$0x3FAA] =	sst s4  }
0xd: {  	[smem:$0x3FAB] =	sst s5  }
0xe: {  	[smem:$0x3FAC] =	sst s6  }
0xf: {  	[smem:$0x3FAD] =	sst s7  }
0x10: {  	[smem:$0x3FAE] =	sst s8  }
0x11: {  	[smem:$0x3FAF] =	sst s9;
	s0 =	simm.s32 @!p0 $0x0  }
0x12: {  	s1 =	sld [smem:$0x3F95];
	s0 =	simm.s32 @p0 $0x1  }
0x13: {  	[smem:$0x3FB0] =	sst s0;
	s0 =	simm.s32 @!p1 $0x0  }
0x14: {  	s2 =	sld [smem:$0x3F94];
	s0 =	simm.s32 @p1 $0x1  }
0x15: {  	[smem:$0x3FB1] =	sst s0;
	s0 =	simm.s32 @!p2 $0x0  }
0x16: {  	s3 =	sld [smem:$0x3FDB];
	s0 =	simm.s32 @p2 $0x1  }
0x17: {  	s4 =	simm.s32 $0x1BF5;
	[smem:$0x3FB3] =	sst s0  }
0x18: {  	s0 =	sld [smem:$0x3F96];
	_ =	swait.ge [sflag:s4], $0x0  }
0x19: {  	s7 =	sld [smem:$0x3F97]  }
0x1a: {  	s8 =	sadd.s32 $0xFFFFE003, lr  }
0x1b: {  	s9 =	sadd.s32 $0xFFFFFEF7, lr;
	s5 =	simm.s32 $0xFFFFFFFF;
	p2 =	slt.u32 s8, $0xFFFFF086  }
0x1c: {  	p1 =	slt.u32 s9, $0xF7A;
	s5 =	simm.s32 @!p2 $0x0  }
0x1d: {  	s5 =	simm.s32 @p1 $0x1;
	p0 =	seq.s32 s7, s2  }
0x1e: {  	s7 =	smul.u32 @!p0 $0xF7A, s2;
	p2 =	seq.s32 @!p0 s5, $0x0  }
0x1f: {  	s9 =	smul.u32 $0xF7A, s1;
	s8 =	simm.s32 @!p0 $0x1BF5;
	p2 =	por !p2, p0  }
0x20: {  	[sflag:s8] =	ssyncset.s32 @!p0 $0xFFFFF086;
	s6 =	sadd.s32 @!p0 s3, s7;
	s7 =	simm.s32 @!p0 $0x108  }
0x21: {  	s3 =	sadd.s32 s3, s9;
	s6 =	sadd.s32 @!p0 $0x88, s6;
	s7 =	simm.s32 @p2 $0x1082  }
0x22: {  	[simem:s7], [sflag:s8] =	dma.local @!p0 [hbm:s6], $0xF7A  }
0x23: {  	s9 =	sor.u32 $0xD0000000, s2;
	s6 =	simm.s32 $0x108;
	_ =	swait.ge @!p0 [sflag:s8], $0x0  }
0x24: {  	s3 =	sadd.s32 $0x88, s3;
	s6 =	simm.s32 @!p1 $0x1082;
	[sflag:s4] =	ssyncset.s32 $0xFFFFF086  }
0x25: {  	[simem:s6], [sflag:s4] =	dma.local [hbm:s3], $0xF7A  }
0x26: {  	[smem:$0x3F97] =	sst s1;
	(tag) =	ssettag s2;
	_ =	strace s9  }
0x27: {  	s1 =	sld [smem:$0x3FA7]  }
0x28: {  	s2 =	sld [smem:$0x3FA8]  }
0x29: {  	s4 =	sld [smem:$0x3FAA]  }
0x2a: {  	p0 =	seq.s32 s5, $0x0;
	s5 =	sld [smem:$0x3FAB]  }
0x2b: {  	s6 =	sld [smem:$0x3FAC]  }
0x2c: {  	s7 =	sld [smem:$0x3FAD]  }
0x2d: {  	s3 =	simm.s32 $0x108;
	s8 =	sld [smem:$0x3FAE]  }
0x2e: {  	s3 =	simm.s32 @!p0 $0x1082;
	s9 =	sld [smem:$0x3FAF]  }
0x2f: {  	lr =	sadd.s32 s0, s3;
	s0 =	sld [smem:$0x3FA6]  }
0x30: {  	s3 =	sld [smem:$0x3FA9]  }
0x31: {  	[smem:$0x3FB2] =	sst s10  }
0x32: {  	s10 =	sld [smem:$0x3FB0];
	_ =	sdelay $0x3  }
0x33: {  	p0 =	seq.s32 s10, $0x1;
	s10 =	sld [smem:$0x3FB2];
	_ =	sdelay $0x3  }
0x34: {  	[smem:$0x3FB2] =	sst s10  }
0x35: {  	s10 =	sld [smem:$0x3FB1];
	_ =	sdelay $0x3  }
0x36: {  	p1 =	seq.s32 s10, $0x1;
	s10 =	sld [smem:$0x3FB2];
	_ =	sdelay $0x3  }
0x37: {  	[smem:$0x3FB2] =	sst s10  }
0x38: {  	s10 =	sld [smem:$0x3FB3]  }
0x39: {  	_ = 	snop;
	(pc) =	sbr.ind lr, $3  }
0x3a: {  	_ = 	snop  }
0x3b: {  	_ = 	snop  }
0x3c: {  	p2 =	seq.s32 s10, $0x1;
	s10 =	sld [smem:$0x3FB2]  }
0x3d: {  	_ =	shalt  }
0x3e: {  	_ =	shalt  }
0x3f: {  	_ =	shalt  }
0x40: {  	_ =	shalt  }
0x41: {  	_ =	shalt  }
0x42: {  	_ =	shalt  }
0x43: {  	_ =	shalt  }
0x44: {  	_ =	shalt  }
0x45: {  	_ =	shalt  }
0x46: {  	_ =	shalt  }
0x47: {  	_ =	shalt  }
0x48: {  	_ =	shalt  }
0x49: {  	_ =	shalt  }
0x4a: {  	_ =	shalt  }
0x4b: {  	_ =	shalt  }
0x4c: {  	_ =	shalt  }
0x4d: {  	_ =	shalt  }
0x4e: {  	_ =	shalt  }
0x4f: {  	_ =	shalt  }
0x50: {  	_ =	shalt  }
0x51: {  	_ =	shalt  }
0x52: {  	_ =	shalt  }
0x53: {  	_ =	shalt  }
0x54: {  	_ =	shalt  }
0x55: {  	_ =	shalt  }
0x56: {  	_ =	shalt  }
0x57: {  	_ =	shalt  }
0x58: {  	_ =	shalt  }
0x59: {  	_ =	shalt  }
0x5a: {  	_ =	shalt  }
0x5b: {  	_ =	shalt  }
0x5c: {  	_ =	shalt  }
0x5d: {  	_ =	shalt  }
0x5e: {  	_ =	shalt  }
0x5f: {  	_ =	shalt  }
0x60: {  	_ =	shalt  }
0x61: {  	_ =	shalt  }
0x62: {  	_ =	shalt  }
0x63: {  	_ =	shalt  }
0x64: {  	_ =	shalt  }
0x65: {  	_ =	shalt  }
0x66: {  	_ =	shalt  }
0x67: {  	_ =	shalt  }
0x68: {  	_ =	shalt  }
0x69: {  	_ =	shalt  }
0x6a: {  	_ =	shalt  }
0x6b: {  	_ =	shalt  }
0x6c: {  	_ =	shalt  }
0x6d: {  	_ =	shalt  }
0x6e: {  	_ =	shalt  }
0x6f: {  	_ =	shalt  }
0x70: {  	_ =	shalt  }
0x71: {  	_ =	shalt  }
0x72: {  	_ =	shalt  }
0x73: {  	_ =	shalt  }
0x74: {  	_ =	shalt  }
0x75: {  	_ =	shalt  }
0x76: {  	_ =	shalt  }
0x77: {  	_ =	shalt  }
0x78: {  	_ =	shalt  }
0x79: {  	_ =	shalt  }
0x7a: {  	_ =	shalt  }
0x7b: {  	_ =	shalt  }
0x7c: {  	_ =	shalt  }
0x7d: {  	_ =	shalt  }
0x7e: {  	_ =	shalt  }
0x7f: {  	_ =	shalt  }
0x80: {  	_ =	shalt  }
0x81: {  	_ =	shalt  }
0x82: {  	_ =	shalt  }
0x83: {  	_ =	shalt  }
0x84: {  	_ =	shalt  }
0x85: {  	_ =	shalt  }
0x86: {  	_ =	shalt  }
0x87: {  	_ =	shalt  }
.Lfunc_end0:
.L_simem_size_0:
called_computation_lowered:
.L_overlay_start_0:
0x88: {  	s2 =	sld [smem:$0x3FD9]  }
0x89: {  	s3 =	sld [smem:$0x3FFE];
	_ =	sdelay $0x1  }
0x8a: {  	s1 =	srdreg.scid  }
0x8b: {  	s0 =	sand.u32 $0x1, s1  }
0x8c: {  	s16 =	sshll.u32 s0, $0xA;
	s2 =	sadd.s32 s3, s2  }
0x8d: {  	s2 =	sadd.s32 s2, s16  }
0x8e: {  	[smem:$0x3FBE] =	sst s2  }
0x8f: {  	_ = 	snop  }
0x90: {  	(tm) =	ssettm $0x1  }
0x91: {  	s17 =	sld [smem:$0x3FFB];
	_ =	sdelay $0x3  }
0x92: {  	_ =	strace s17  }
0x93: {  	s2 =	sld [smem:$0x3FFC];
	_ =	sdelay $0x3  }
0x94: {  	_ =	strace s2  }
0x95: {  	s2 =	sld [smem:$0x3FFD];
	_ =	sdelay $0x3  }
0x96: {  	_ =	strace s2  }
0x97: {  	_ =	strace $0x8FFFFFFF  }
0x98: {  	s18 =	sld [smem:$0x3FDB];
	_ =	sdelay $0x1  }
0x99: {  	s19 =	simm.s32 $_scs_section_size  }
0x9a: {  	s4 =	simm.s32 $_size__tile_overlayer_lowered;
	s5 =	simm.s32 $_tile_overlayer_lowered  }
0x9b: {  	s22 =	simm.s32 $0x1BFF;
	s21 =	sshll.u32 s5, $0x1;
	s2 =	sadd.s32 s19, s18  }
0x9c: {  	s6 =	simm.s32 $0x0;
	s20 =	sshll.u32 s4, $0x1;
	s4 =	sadd.s32 s21, s2  }
0x9d: {  	[timem:s6], [sflag:s22] =	dma.local [hbm:s4], s20  }
0x9e: {  	_ =	swait.ge [sflag:s22], s20  }
0x9f: {  	s3 =	ssub.s32 $0x0, s20;
	[sflag:s22] =	ssyncset.done $0x0  }
0xa0: {  	[sflag:s22] =	ssyncadd.s32 s3;
	_ =	sdelay $0x1  }
0xa1: {  	s23 =	simm.s32 $0x1B8B  }
0xa2: {  	_ =	swait.ge [sflag:s23], $0x1  }
0xa3: {  	[sflag:s23] =	ssyncset.done $0x0  }
0xa4: {  	s25 =	simm.s32 $0x1B8E;
	s24 =	sld [smem:$0x3FFE];
	[sflag:s23] =	ssyncadd.s32 $0xFFFFFFFF  }
0xa5: {  	s26 =	simm.s32 $execute0_lowered;
	[smem:$0x3FD2] =	sst s25  }
0xa6: {  	s4 =	sshll.u32 s26, $0x1;
	_ =	strace $0x80000046;
	[dreg:$0x1] =	wrdreg $0xFFFFFFFF  }
0xa7: {  	s28 =	simm.s32 $_size_execute0_lowered;
	s2 =	sadd.s32 s2, s4;
	[dreg:$0x0] =	wrdreg $0x0  }
0xa8: {  	s4 =	sshll.u32 s28, $0x1;
	[dreg:$0x2] =	wrdreg s2  }
0xa9: {  	[dreg:$0x3] =	wrdreg s4  }
0xaa: {  	[dreg:$0x4] =	wrdreg $0xC0  }
0xab: {  	_ =	task [dreg:s6], $0x5FFFF  }
0xac: {  	[dreg:$0x1] =	wrdreg $0xFFFFFFFF  }
0xad: {  	[dreg:$0x0] =	wrdreg $0x60  }
0xae: {  	[dreg:$0x2] =	wrdreg s24  }
0xaf: {  	[dreg:$0x3] =	wrdreg $0xA8000  }
0xb0: {  	[dreg:$0x4] =	wrdreg $0x1E8800  }
0xb1: {  	[dreg:$0x5] =	wrdreg $0x9  }
0xb2: {  	_ =	task.clear_ibuf [dreg:s6], $0x6FFFF;
	_ =	strace $0x90000046  }
0xb3: {  	s29 =	simm.s32 $0x9;
	_ =	strace $0x80000048  }
0xb4: {  	_ =	swait.ge [sflag:s29], $0x1  }
0xb5: {  	[sflag:s29] =	ssyncadd.s32 $0xFFFFFFFF  }
0xb6: {  	_ =	strace $0x90000048  }
0xb7: {  	_ =	sfence  }
0xb8: {  	s30 =	sld [smem:$0x0];
	_ =	sdelay $0x2  }
0xb9: {  	s31 =	sshll.u32 s1, $0xD;
	s1 =	sshrl.u32 s1, $0x2  }
0xba: {  	s3 =	sand.u32 $0x4000, s31;
	s1 =	sadd.s32 s1, s30  }
0xbb: {  	s0 =	sor.u32 s3, s0;
	s1 =	sshll.u32 s1, $0x11  }
0xbc: {  	s0 =	sor.u32 s1, s0  }
0xbd: {  	s0 =	sadd.s32 $0x8F2B, s0  }
0xbe: {  	[sflag:s0] =	ssyncadd.remote.s32 $0x1  }
0xbf: {  	_ =	sfence.sel $0xFFFF  }
0xc0: {  	[dreg:$0x0] =	wrdreg $0xFFFFFFFF;
	(pc) =	sbr.abs _section_cstart, $3  }
0xc1: {  	[dreg:$0x1] =	wrdreg $0xFFFFFFFF  }
0xc2: {  	_ =	task.clear_ibuf [dreg:s6], $0x2FFFF;
	_ =	strace $0x9FFFFFFF  }
0xc3: {  	(tm) =	ssettm $0x7FFFFFFF  }
tec
execute0_lowered:
.L_overlay_start_1:
0x0: {  	(tag) =	ssettag $0x1  }
0x1: {  	s0 =	rddreg [dreg:$0x0]  }
0x2: {  	s2 =	rddreg [dreg:$0x1]  }
0x3: {  	s3 =	rddreg [dreg:$0x2];
	s4 =	simm.s32 $0x0;
	s16 =	stileid.u32  }
0x4: {  	s1 =	srdreg.scid;
	s18 =	simm.s32 $0x6;
	s19 =	simm.s32 $0x3  }
0x5: {  	s28 =	simm.s32 $0x100;
	s29 =	simm.s32 $0x1480;
	s30 =	simm.s32 $0x4  }
0x6: {  	s31 =	simm.s32 $0x1380;
	[smem:$0x7FF] =	sst s4;
	s8 =	smul.u32 $0x14000, s16  }
0x7: {  	s1 =	sand.u32 $0x1, s1;
	s5 =	sadd.s32 $0x2200, s0;
	s10 =	smul.u32 $0x280, s16  }
0x8: {  	s6 =	sadd.s32 $0x2A200, s0;
	s7 =	sadd.s32 $0x34200, s0;
	s14 =	smul.u32 $0x50000, s16  }
0x9: {  	s15 =	sshll.u32 s16, $0x1;
	s16 =	sshll.u32 s16, $0x6;
	s9 =	smul.u32 $0x140000, s1  }
0xa: {  	_ =	strace $0x80000047;
	s20 =	smul.u32 $0x2800, s1;
	s13 =	ssub.s32 $0x2, s1  }
0xb: {  	s1 =	sor.u32 s1, s15;
	s24 =	sor.u32 $0x1C03, s16;
	s16 =	sor.u32 $0x1C06, s16  }
0xc: {  	s11 =	sshrl.u32 s8, $0x3;
	s12 =	sshrl.u32 s10, $0x3;
	s21 =	sshrl.u32 s13, $0x1  }
0xd: {  	s22 =	sshrl.u32 s14, $0x2;
	[dreg:$0x5] =	wrdreg s24;
	s24 =	simm.s32 $0x2800  }
0xe: {  	s8 =	sadd.s32 s8, s9;
	s11 =	sadd.s32 s11, s0;
	s12 =	sadd.s32 s12, s0  }
0xf: {  	s9 =	sadd.s32 s10, s20;
	s23 =	sadd.s32 s22, s2;
	s10 =	sadd.s32 s10, s3  }
0x10: {  	s20 =	simm.s32 $0x1400;
	s22 =	simm.s32 $0x2;
	s8 =	sshrl.u32 s8, $0x3  }
0x11: {  	s9 =	sshrl.u32 s9, $0x3;
	s11 =	sadd.s32 $0x3E200, s11;
	s25 =	sadd.s32 $0x66200, s12  }
0x12: {  	s15 =	sshrl.u32 s23, $0x3;
	s17 =	sshrl.u32 s10, $0x3;
	s23 =	simm.s32 $0x80  }
0x13: {  	s8 =	sadd.s32 s8, s0;
	s0 =	sadd.s32 s9, s0;
	[dreg:$0x4] =	wrdreg s11  }
0x14: {  	s9 =	ssub.s32 s13, s21;
	[dreg:$0x6] =	wrdreg s25;
	s11 =	smul.u32 $0x2800, s1  }
0x15: {  	s21 =	simm.s32 $0x1;
	s25 =	simm.s32 $0x6800;
	s1 =	simm.s32 $0x2780  }
0x16: {  	s26 =	sadd.s32 $0x67200, s8;
	s0 =	sadd.s32 $0x66800, s0;
	s14 =	smax.u32 s9, $0x1  }
0x17: {  	s8 =	simm.s32 $0x5;
	s9 =	simm.s32 $0x0;
	[dreg:$0x7] =	wrdreg s26  }
0x18: {  	v0 =	vimm.f32 $1.000000000e+00;
	[dreg:$0x8] =	wrdreg s0;
	s26 =	simm.s32 $0x1E800;
	s0 =	simm.s32 $0x2700  }
.LBB2_1:
0x19: {  	s10 =	rddreg [dreg:$0x4]  }
0x1a: {  	s12 =	rddreg [dreg:$0x5]  }
0x1b: {  	[spmem:s15], [sflag:s12] =	dma.local [hbm:s10], $0x2800  }
0x1c: {  	s10 =	rddreg [dreg:$0x6]  }
0x1d: {  	[spmem:s17], [sflag:s16] =	dma.local [hbm:s10], $0x50  }
0x1e: {  	_ =	swait.ge [sflag:s18], $0x50  }
0x1f: {  	[sflag:s18] =	ssyncset.done $0x0  }
0x20: {  	[sflag:s18] =	ssyncadd.s32 $0xFFFFFFB0  }
0x21: {  	[tilespmem:$0x1E800] =	vst v0  }
0x22: {  	[tilespmem:$0x1E810] =	vst v0  }
0x23: {  	[tilespmem:$0x1E820] =	vst v0  }
0x24: {  	[tilespmem:$0x1E830] =	vst v0  }
0x25: {  	[tilespmem:$0x1E840] =	vst v0  }
0x26: {  	[tilespmem:$0x1E850] =	vst v0  }
0x27: {  	[tilespmem:$0x1E860] =	vst v0  }
0x28: {  	[tilespmem:$0x1E870] =	vst v0  }
0x29: {  	_ =	swait.ge [sflag:s19], $0x2800  }
0x2a: {  	[sflag:s19] =	ssyncset.done $0x0  }
0x2b: {  	[sflag:s19] =	ssyncadd.s32 $0xFFFFD800  }
0x2c: {  	p1 =	por $0x1, $0x1;
	s12 =	simm.s32 $0x0;
	[bflag:$0x0] =	sbarrier.arrive $0xFFFF  }
.LBB2_2:
0x2d: {  	s10 =	sadd.s32 s11, s12  }
0x2e: {  	s10 =	sshrl.u32 s10, $0x3  }
0x2f: {  	s13 =	sadd.s32 s6, s10  }
0x30: {  	[tilespmem:s4], [sflag:$0x1] =	stream.linear.gather [hbm4b:s13+s4], $0x1400, $0x38;
	[tilespmem:$0x1EB00] =	vst v63  }
0x31: {  	s10 =	sadd.s32 s7, s10  }
0x32: {  	[tilespmem:s20], [sflag:$0x2] =	stream.linear.gather [hbm4b:s10+s4], $0x1400, $0x38;
	[tilespmem:$0x1EB00] =	vst v63  }
0x33: {  	_ =	swait.ge [sflag:s21], $0x1400  }
0x34: {  	[sflag:s21] =	ssyncset.done $0x0  }
0x35: {  	[sflag:s21] =	ssyncadd.s32 $0xFFFFEC00  }
0x36: {  	_ =	swait.ge [sflag:s22], $0x1400  }
0x37: {  	[sflag:s22] =	ssyncset.done $0x0  }
0x38: {  	[sflag:s22] =	ssyncadd.s32 $0xFFFFEC00  }
0x39: {  	[tilespmem:s24], [sflag:$0x1] =	stream.indirect.gather [hbm4b:s5+s23], $0x80, s4, s23, $0xb8;
	[tilespmem:$0x1EB00] =	vst v63  }
0x3a: {  	_ = 	snop  }
0x3b: {  	[tilespmem:s25], [sflag:$0x2] =	stream.indirect.gather [hbm4b:s5+s23], $0x80, s23, s23, $0xb8;
	[tilespmem:$0x1EB00] =	vst v63  }
0x3c: {  	_ =	swait.ge [sflag:s21], $0x4000  }
0x3d: {  	[sflag:s21] =	ssyncset.done $0x0  }
0x3e: {  	[sflag:s21] =	ssyncadd.s32 $0xFFFFC000  }
0x3f: {  	[spmem:s3] =	stream.indirect.scatter.add.f32 [tilespmem:s26], [sflag:$0x5], $0x1, s20, s23, $0xb8;
	[tilespmem:$0x1EB00] =	vst v63  }
0x40: {  	_ = 	snop  }
0x41: {  	[spmem:s2] =	stream.indirect.scatter.add.f32 [tilespmem:s24], [sflag:$0x3], $0x80, s20, s23, $0xb8;
	[tilespmem:$0x1EB00] =	vst v63  }
0x42: {  	_ =	swait.ge [sflag:s19], $0x4000  }
0x43: {  	[sflag:s19] =	ssyncset.done $0x0  }
0x44: {  	[sflag:s19] =	ssyncadd.s32 $0xFFFFC000  }
0x45: {  	[tilespmem:s24], [sflag:$0x1] =	stream.indirect.gather [hbm4b:s5+s23], $0x80, s28, s23, $0xb8;
	[tilespmem:$0x1EB00] =	vst v63  }
0x46: {  	_ =	swait.ge [sflag:s22], $0x4000  }
0x47: {  	[sflag:s22] =	ssyncset.done $0x0  }
0x48: {  	[sflag:s22] =	ssyncadd.s32 $0xFFFFC000  }
0x49: {  	[spmem:s3] =	stream.indirect.scatter.add.f32 [tilespmem:s26], [sflag:$0x5], $0x1, s29, s23, $0xb8;
	[tilespmem:$0x1EB00] =	vst v63  }
0x4a: {  	_ = 	snop  }
0x4b: {  	[spmem:s2] =	stream.indirect.scatter.add.f32 [tilespmem:s25], [sflag:$0x4], $0x80, s29, s23, $0xb8;
	[tilespmem:$0x1EB00] =	vst v63  }
0x4c: {  	_ =	swait.ge [sflag:s30], $0x4000  }
0x4d: {  	[sflag:s30] =	ssyncset.done $0x0  }
0x4e: {  	s13 =	simm.s32 $0x180;
	[sflag:s30] =	ssyncadd.s32 $0xFFFFC000  }
0x4f: {  	[tilespmem:s25], [sflag:$0x2] =	stream.indirect.gather [hbm4b:s5+s23], $0x80, s13, s23, $0xb8;
	[tilespmem:$0x1EB00] =	vst v63  }
0x50: {  	_ =	swait.ge [sflag:s21], $0x4000  }
0x51: {  	[sflag:s21] =	ssyncset.done $0x0  }
0x52: {  	s12 =	simm.s32 $0x1500;
	[sflag:s21] =	ssyncadd.s32 $0xFFFFC000  }
0x53: {  	[spmem:s3] =	stream.indirect.scatter.add.f32 [tilespmem:s26], [sflag:$0x5], $0x1, s12, s23, $0xb8;
	[tilespmem:$0x1EB00] =	vst v63  }
0x54: {  	_ = 	snop  }
0x55: {  	[spmem:s2] =	stream.indirect.scatter.add.f32 [tilespmem:s24], [sflag:$0x3], $0x80, s12, s23, $0xb8;
	[tilespmem:$0x1EB00] =	vst v63  }
0x56: {  	_ =	swait.ge [sflag:s19], $0x4000  }
0x57: {  	[sflag:s19] =	ssyncset.done $0x0  }
0x58: {  	s13 =	simm.s32 $0x200;
	[sflag:s19] =	ssyncadd.s32 $0xFFFFC000  }
0x59: {  	[tilespmem:s24], [sflag:$0x1] =	stream.indirect.gather [hbm4b:s5+s23], $0x80, s13, s23, $0xb8;
	[tilespmem:$0x1EB00] =	vst v63  }
0x5a: {  	_ =	swait.ge [sflag:s22], $0x4000  }
0x5b: {  	p0 =	por p1, p1;
	[sflag:s22] =	ssyncset.done $0x0  }
0x5c: {  	s10 =	simm.s32 $0xFFFFBC00;
	s12 =	simm.s32 $0x1580;
	[sflag:s22] =	ssyncadd.s32 $0xFFFFC000  }
0x5d: {  	[spmem:s3] =	stream.indirect.scatter.add.f32 [tilespmem:s26], [sflag:$0x5], $0x1, s12, s23, $0xb8;
	[tilespmem:$0x1EB00] =	vst v63  }
.LBB2_3:
0x5e: {  	[spmem:s2] =	stream.indirect.scatter.add.f32 [tilespmem:s25], [sflag:$0x4], $0x80, s12, s23, $0xb8;
	[tilespmem:$0x1EB00] =	vst v63  }
0x5f: {  	s12 =	smov.u32 s10  }
0x60: {  	p1 =	sne.s32 s10, $0xFFFFFC00;
	s10 =	sadd.s32 $0x400, s10;
	_ =	swait.ge [sflag:s30], $0x4000  }
0x61: {  	s12 =	sshra.s32 s12, $0x2;
	[sflag:s30] =	ssyncset.done $0x0  }
0x62: {  	s13 =	sadd.s32 $0x1380, s12;
	[sflag:s30] =	ssyncadd.s32 $0xFFFFC000  }
0x63: {  	[tilespmem:s25], [sflag:$0x2] =	stream.indirect.gather [hbm4b:s5+s23], $0x80, s13, s23, $0xb8;
	[tilespmem:$0x1EB00] =	vst v63  }
0x64: {  	_ =	swait.ge [sflag:s21], $0x4000  }
0x65: {  	[sflag:s21] =	ssyncset.done $0x0  }
0x66: {  	s13 =	sadd.s32 $0x2700, s12;
	[sflag:s21] =	ssyncadd.s32 $0xFFFFC000  }
0x67: {  	[spmem:s3] =	stream.indirect.scatter.add.f32 [tilespmem:s26], [sflag:$0x5], $0x1, s13, s23, $0xb8;
	[tilespmem:$0x1EB00] =	vst v63  }
0x68: {  	_ = 	snop  }
0x69: {  	[spmem:s2] =	stream.indirect.scatter.add.f32 [tilespmem:s24], [sflag:$0x3], $0x80, s13, s23, $0xb8;
	[tilespmem:$0x1EB00] =	vst v63  }
0x6a: {  	_ =	swait.ge [sflag:s19], $0x4000  }
0x6b: {  	[sflag:s19] =	ssyncset.done $0x0  }
0x6c: {  	s13 =	sadd.s32 $0x1400, s12;
	[sflag:s19] =	ssyncadd.s32 $0xFFFFC000  }
0x6d: {  	[tilespmem:s24], [sflag:$0x1] =	stream.indirect.gather [hbm4b:s5+s23], $0x80, s13, s23, $0xb8;
	[tilespmem:$0x1EB00] =	vst v63  }
.Ltmp0:
0x6e: {  	_ = 	snop;
	(pc) =	sbr.rel @p1 .LBB2_3-.Ltmp0, $4  }
0x6f: {  	_ =	swait.ge [sflag:s22], $0x4000  }
0x70: {  	[sflag:s22] =	ssyncset.done $0x0  }
0x71: {  	s12 =	sadd.s32 $0x2780, s12;
	[sflag:s22] =	ssyncadd.s32 $0xFFFFC000  }
0x72: {  	[spmem:s3] =	stream.indirect.scatter.add.f32 [tilespmem:s26], [sflag:$0x5], $0x1, s12, s23, $0xb8;
	[tilespmem:$0x1EB00] =	vst v63  }
0x73: {  	[spmem:s2] =	stream.indirect.scatter.add.f32 [tilespmem:s25], [sflag:$0x4], $0x80, s12, s23, $0xb8;
	[tilespmem:$0x1EB00] =	vst v63  }
0x74: {  	_ =	swait.ge [sflag:s30], $0x4000  }
0x75: {  	[sflag:s30] =	ssyncset.done $0x0  }
0x76: {  	[sflag:s30] =	ssyncadd.s32 $0xFFFFC000  }
0x77: {  	[tilespmem:s25], [sflag:$0x2] =	stream.indirect.gather [hbm4b:s5+s23], $0x80, s31, s23, $0xb8;
	[tilespmem:$0x1EB00] =	vst v63  }
0x78: {  	_ =	swait.ge [sflag:s21], $0x4000  }
0x79: {  	[sflag:s21] =	ssyncset.done $0x0  }
0x7a: {  	[sflag:s21] =	ssyncadd.s32 $0xFFFFC000  }
0x7b: {  	[spmem:s3] =	stream.indirect.scatter.add.f32 [tilespmem:s26], [sflag:$0x5], $0x1, s0, s23, $0xb8;
	[tilespmem:$0x1EB00] =	vst v63  }
0x7c: {  	_ = 	snop  }
0x7d: {  	[spmem:s2] =	stream.indirect.scatter.add.f32 [tilespmem:s24], [sflag:$0x3], $0x80, s0, s23, $0xb8;
	[tilespmem:$0x1EB00] =	vst v63  }
0x7e: {  	_ =	swait.ge [sflag:s22], $0x4000  }
0x7f: {  	[sflag:s22] =	ssyncset.done $0x0  }
0x80: {  	[sflag:s22] =	ssyncadd.s32 $0xFFFFC000  }
0x81: {  	[spmem:s3] =	stream.indirect.scatter.add.f32 [tilespmem:s26], [sflag:$0x5], $0x1, s1, s23, $0xb8;
	[tilespmem:$0x1EB00] =	vst v63  }
0x82: {  	_ = 	snop  }
0x83: {  	[spmem:s2] =	stream.indirect.scatter.add.f32 [tilespmem:s25], [sflag:$0x4], $0x80, s1, s23, $0xb8;
	[tilespmem:$0x1EB00] =	vst v63  }
0x84: {  	_ =	swait.ge [sflag:s19], $0x4000  }
.Ltmp1:
0x85: {  	[sflag:s19] =	ssyncset.done $0x0;
	(pc) =	sbr.rel @p0 .LBB2_2-.Ltmp1, $4  }
0x86: {  	[sflag:s19] =	ssyncadd.s32 $0xFFFFC000  }
0x87: {  	_ =	swait.ge [sflag:s30], $0x4000  }
0x88: {  	s10 =	simm.s32 $0x50;
	[sflag:s30] =	ssyncset.done $0x0  }
0x89: {  	s12 =	simm.s32 $0x1400;
	p1 =	por $0x0, $0x0;
	[sflag:s30] =	ssyncadd.s32 $0xFFFFC000  }
0x8a: {  	_ =	swait.ge [sflag:s8], $0x80  }
0x8b: {  	s10 =	sadd.s32 $0xFFFFFFFF, s10;
	[sflag:s8] =	ssyncset.done $0x0  }
.LBB2_6:
0x8c: {  	p0 =	sne.s32 s10, $0x1;
	s10 =	sadd.s32 $0xFFFFFFFF, s10;
	[sflag:s8] =	ssyncadd.s32 $0xFFFFFF80  }
.Ltmp2:
0x8d: {  	(pc) =	sbr.rel @p0 .LBB2_6-.Ltmp2, $3  }
0x8e: {  	_ =	sdelay $0x1  }
0x8f: {  	_ =	swait.ge [sflag:s8], $0x80  }
0x90: {  	[sflag:s8] =	ssyncset.done $0x0  }
0x91: {  	[sflag:s8] =	ssyncadd.s32 $0xFFFFFF80  }
0x92: {  	[bflag:$0x0] =	sbarrier.arrive $0xFFFF  }
0x93: {  	s10 =	rddreg [dreg:$0x7]  }
0x94: {  	[hbm:s10], [sflag:s16] =	dma.local [spmem:s15], $0x2800  }
0x95: {  	s9 =	sadd.s32 $0x1, s9;
	_ =	swait.ge [sflag:s18], $0x2800  }
0x96: {  	p0 =	sne.s32 s9, s14;
	[sflag:s18] =	ssyncset.done $0x0  }
.Ltmp3:
0x97: {  	s13 =	rddreg [dreg:$0x8];
	[sflag:s18] =	ssyncadd.s32 $0xFFFFD800;
	(pc) =	sbr.rel @p0 .LBB2_1-.Ltmp3, $4  }
0x98: {  	[hbm:s13], [sflag:s16] =	dma.local [spmem:s17], $0x50  }
0x99: {  	_ =	swait.ge [sflag:s18], $0x50  }
0x9a: {  	[sflag:s18] =	ssyncset.done $0x0  }
0x9b: {  	[sflag:s18] =	ssyncadd.s32 $0xFFFFFFB0  }
0x9c: {  	_ =	sfence.sel $0x180000  }
0x9d: {  	[bflag:$0x0] =	sbarrier.arrive $0xFFFF  }
0x9e: {  	_ =	strace $0x90000047  }
0x9f: {  	s0 =	stileid.u32;
	[bflag:$0x2] =	sbarrier.arrive $0xFFFF  }
0xa0: {  	p0 =	sne.s32 s0, $0x0;
	s0 =	rddreg [dreg:$0x3]  }
0xa1: {  	s0 =	sadd.s32 @!p0 $0x100000, s0  }
0xa2: {  	[sflag:s0] =	ssyncadd.tile.s32 @!p0 $0x1;
	_ =	shalt  }
.Lfunc_end2:
_tile_overlayer_lowered:
.L_overlay_start_2:
0xa3: {  	(tag) =	ssettag $0x2  }
0xa4: {  	s0 =	rddreg [dreg:$0x0];
	s2 =	stileid.u32  }
0xa5: {  	s1 =	rddreg [dreg:$0x1];
	p0 =	sne.s32 s2, $0x0  }
0xa6: {  	s3 =	rddreg [dreg:$0x2];
	[bflag:$0x3] =	sbarrier.arrive $0xFFFF;
	s2 =	simm.s32 @!p0 $0x1C06  }
0xa7: {  	[timem:s3], [sflag:s2] =	dma.local @!p0 [hbm:s0], s1  }
0xa8: {  	s0 =	simm.s32 @!p0 $0x6  }
0xa9: {  	_ =	swait.ge @!p0 [sflag:s0], s1  }
0xaa: {  	s1 =	ssub.s32 @!p0 $0x0, s1;
	[sflag:s0] =	ssyncset.done @!p0 $0x0  }
0xab: {  	[sflag:s0] =	ssyncadd.s32 @!p0 s1  }
0xac: {  	[bflag:$0x3] =	sbarrier.arrive $0xFFFF  }
0xad: {  	_ =	shalt  }

</sc_bundles>
